<compile_context>
chip_gen: v7x
topology: tpu7x:2x2x1
jax: 0.10.2.dev20260603
libtpu: 0.0.44.dev20260713+nightly
codegen_flags: <defaults>
</compile_context>

<pallas_src>
import functools

import jax
import jax.numpy as jnp
from jax import lax
from jax.experimental import pallas as pl
from jax.experimental.pallas import tpu as pltpu
from jax.experimental.pallas import tpu_sc as plsc

_BATCH = 16384
_EMBED_DIM = 64
_NUM_CORES = 2
_NUM_SUBCORES = 16
_NW = _NUM_CORES * _NUM_SUBCORES
_B_PER_W = _BATCH // _NW
_LANES = 16
_DEPTH = 8


@functools.partial(
    pl.kernel,
    out_type=jax.ShapeDtypeStruct((_EMBED_DIM, _BATCH), jnp.float32),
    mesh=plsc.VectorSubcoreMesh(core_axis_name="c", subcore_axis_name="s"),
    scratch_types=[
        pltpu.VMEM((_B_PER_W // 128, 128), jnp.int32),
        [pltpu.VMEM((_EMBED_DIM, 128), jnp.float32) for _ in range(_DEPTH)],
        pltpu.VMEM((_DEPTH, _LANES), jnp.int32),
        pltpu.VMEM((_EMBED_DIM, _B_PER_W), jnp.float32),
        [pltpu.SemaphoreType.DMA for _ in range(_DEPTH)],
    ],
    compiler_params=pltpu.CompilerParams(
        disable_bounds_checks=True, needs_layout_passes=False
    ),
)
def _embedding_gather(
    idx_hbm, table_t_hbm, out_hbm, idx_s, panels, lane_ring, cols_v, sems
):
    wid = lax.axis_index("s") * _NUM_CORES + lax.axis_index("c")
    pltpu.sync_copy(idx_hbm.at[pl.ds(wid * (_B_PER_W // 128), _B_PER_W // 128)], idx_s)

    def fire(u, b):
        v = idx_s[u >> 7, pl.ds(((u >> 4) & 7) * _LANES, _LANES)]
        sel = jnp.where(lax.iota(jnp.int32, _LANES) == (u & 15), v, jnp.int32(0))
        r = jnp.sum(sel)
        lane_ring[b, :] = jnp.full((_LANES,), r & 127, dtype=jnp.int32)
        col = pl.multiple_of((r >> 7) << 7, 128)
        pltpu.async_copy(
            table_t_hbm.at[pl.ds(0, 32), pl.ds(col, 128)],
            panels[b].at[pl.ds(0, 32)],
            sems[b],
        )
        pltpu.async_copy(
            table_t_hbm.at[pl.ds(32, 32), pl.ds(col, 128)],
            panels[b].at[pl.ds(32, 32)],
            sems[b],
        )

    def drain(b):
        pltpu.make_async_copy(
            table_t_hbm.at[:, pl.ds(0, 128)], panels[b], sems[b]
        ).wait()

    def extract(u, b):
        lane = lane_ring[b, :]
        upos = jnp.full((_LANES,), u, dtype=jnp.int32)
        for k in range(_EMBED_DIM // _LANES):
            dims = lax.iota(jnp.int32, _LANES) + (k * _LANES)
            vals = plsc.load_gather(panels[b], [dims, lane])
            plsc.store_scatter(cols_v, [dims, upos], vals)

    for b in range(_DEPTH):
        fire(b, b)

    def step(i):
        for b in range(_DEPTH):
            u = i * _DEPTH + b
            drain(b)
            extract(u, b)

            @pl.when(u + _DEPTH < _B_PER_W)
            def _():
                fire(u + _DEPTH, b)

    pl.loop(0, _B_PER_W // _DEPTH)(step)
    pltpu.sync_copy(cols_v, out_hbm.at[:, pl.ds(wid * _B_PER_W, _B_PER_W)])


def kernel(user_id, table):
    idx = user_id.astype(jnp.int32).reshape(_BATCH // 128, 128)
    return _embedding_gather(idx, table.T).T

# --- scband reference (transcript-rebuilt; emitter-appended) ---
"""Pipeline reference for scband-user-embedding-5643587027004 (READ-ONLY COPY).

The authoritative reference and input builder live on the scoring server;
editing this copy changes nothing except your own understanding.
"""

import jax, jax.numpy as jnp
import numpy as np

NUM_USERS = 1000000
EMBED_DIM = 64
BATCH = 16384

def setup_inputs(seed: int = 0) -> dict:
    key = jax.random.key(seed)
    k_idx, k_tab = jax.random.split(key)
    user_id = jax.random.randint(k_idx, (BATCH,), 0, NUM_USERS, dtype=jnp.int64 if jax.config.jax_enable_x64 else jnp.int32)
    # nn.Embedding default init: N(0, 1)
    table = jax.random.normal(k_tab, (NUM_USERS, EMBED_DIM), dtype=jnp.float32)
    return {"user_id": user_id, "table": table}

def reference(user_id, table):
    # nn.Embedding forward: row gather from the embedding table
    return jnp.take(table, user_id, axis=0)

if __name__ == "__main__":
    import jax
    _d = setup_inputs()
    print(jax.jit(kernel)(*tuple(_d.values())))

</pallas_src>

<mosaic_0001>
#map = affine_map<(d0, d1) -> (0, 0)>
module attributes {stable_mosaic.version = 14 : i64} {
  func.func @_embedding_gather(%arg0: i32, %arg1: i32, %arg2: memref<128x128xi32, #tpu.memory_space<hbm>>, %arg3: memref<64x1000000xf32, #tpu.memory_space<hbm>>, %arg4: memref<64x16384xf32, #tpu.memory_space<hbm>>, %arg5: memref<4x128xi32, #tpu.memory_space<vmem>>, %arg6: memref<64x128xf32, #tpu.memory_space<vmem>>, %arg7: memref<64x128xf32, #tpu.memory_space<vmem>>, %arg8: memref<64x128xf32, #tpu.memory_space<vmem>>, %arg9: memref<64x128xf32, #tpu.memory_space<vmem>>, %arg10: memref<64x128xf32, #tpu.memory_space<vmem>>, %arg11: memref<64x128xf32, #tpu.memory_space<vmem>>, %arg12: memref<64x128xf32, #tpu.memory_space<vmem>>, %arg13: memref<64x128xf32, #tpu.memory_space<vmem>>, %arg14: memref<8x16xi32, #tpu.memory_space<vmem>>, %arg15: memref<64x512xf32, #tpu.memory_space<vmem>>, %arg16: memref<!tpu.dma_semaphore, #tpu.memory_space<semaphore_mem>>, %arg17: memref<!tpu.dma_semaphore, #tpu.memory_space<semaphore_mem>>, %arg18: memref<!tpu.dma_semaphore, #tpu.memory_space<semaphore_mem>>, %arg19: memref<!tpu.dma_semaphore, #tpu.memory_space<semaphore_mem>>, %arg20: memref<!tpu.dma_semaphore, #tpu.memory_space<semaphore_mem>>, %arg21: memref<!tpu.dma_semaphore, #tpu.memory_space<semaphore_mem>>, %arg22: memref<!tpu.dma_semaphore, #tpu.memory_space<semaphore_mem>>, %arg23: memref<!tpu.dma_semaphore, #tpu.memory_space<semaphore_mem>>) attributes {dimension_semantics = [#tpu.dimension_semantics<core_parallel>, #tpu.dimension_semantics<subcore_parallel>], iteration_bounds = array<i64: 2, 16>, scalar_prefetch = 0 : i64, scratch_operands = 19 : i64, tpu.core_type = #tpu.core_type<sc_vector_subcore>, window_params = [{transform_indices = #map}, {transform_indices = #map}, {transform_indices = #map}]} {
    %mul3A = arith.constant 2 : i32
    %mul3A_0 = arith.muli %arg1, %mul3A : i32
    %add3A = arith.addi %mul3A_0, %arg0 : i32
    %mul3A_1 = arith.constant 4 : i32
    %mul3A_2 = arith.muli %add3A, %mul3A_1 : i32
    "tpu.region"() ({
      %run_scoped3A = tpu.sem_alloc : memref<!tpu.dma_semaphore, #tpu.memory_space<semaphore_mem>>
      %dma_start3A_372 = arith.constant 0 : i32
      %dma_start3A_373 = tpu.memref_slice %arg2[%mul3A_2, %dma_start3A_372] : memref<128x128xi32, #tpu.memory_space<hbm>> -> memref<4x128xi32, #tpu.memory_space<hbm>>
      %dma_start3A_374 = arith.constant 0 : i32
      %dma_start3A_375 = tpu.memref_slice %arg2[%mul3A_2, %dma_start3A_374] : memref<128x128xi32, #tpu.memory_space<hbm>> -> memref<4x128xi32, #tpu.memory_space<hbm>>
      tpu.enqueue_dma source(%dma_start3A_375 : memref<4x128xi32, #tpu.memory_space<hbm>>) target(%arg5 : memref<4x128xi32, #tpu.memory_space<vmem>>) target_semaphore(%run_scoped3A : memref<!tpu.dma_semaphore, #tpu.memory_space<semaphore_mem>>)
      %dma_wait3A = arith.constant 0 : i32
      %dma_wait3A_376 = tpu.memref_slice %arg2[%mul3A_2, %dma_wait3A] : memref<128x128xi32, #tpu.memory_space<hbm>> -> memref<4x128xi32, #tpu.memory_space<hbm>>
      %dma_wait3A_377 = arith.constant 0 : i32
      %dma_wait3A_378 = tpu.memref_slice %arg2[%mul3A_2, %dma_wait3A_377] : memref<128x128xi32, #tpu.memory_space<hbm>> -> memref<4x128xi32, #tpu.memory_space<hbm>>
      tpu.wait_dma2 semaphore(%run_scoped3A : memref<!tpu.dma_semaphore, #tpu.memory_space<semaphore_mem>>) src(%dma_wait3A_378 : memref<4x128xi32, #tpu.memory_space<hbm>>) dst(%arg5 : memref<4x128xi32, #tpu.memory_space<vmem>>)
      tpu.yield
    }) : () -> ()
    %get3A = arith.constant 0 : i32
    %get3A_3 = arith.index_cast %get3A : i32 to index
    %get3A_4 = arith.constant 0 : index
    %get3A_5 = tpu.vector_load %arg5[%get3A_3, %get3A_4] {strides = array<i32>} : memref<4x128xi32, #tpu.memory_space<vmem>>, vector<16xi32>,
    %iota3A = tpu.iota {dimensions = array<i32: 0>} : vector<16xi32>
    %eq3A = arith.constant 0 : i32
    %eq3A_6 = vector.broadcast %eq3A : i32 to vector<16xi32>
    %eq3A_7 = arith.cmpi eq, %iota3A, %eq3A_6 : vector<16xi32>
    %jit3A = arith.constant 0 : i32
    %broadcast_in_dim3A = vector.broadcast %jit3A : i32 to vector<16xi32>
    %select_n3A = arith.select %eq3A_7, %get3A_5, %broadcast_in_dim3A : vector<16xi1>, vector<16xi32>
    %reduce_sum3A = arith.constant true
    %reduce_sum3A_8 = vector.broadcast %reduce_sum3A : i1 to vector<16xi1>
    %reduce_sum3A_9 = tpu.scan <sum>, %select_n3A masked %reduce_sum3A_8 : vector<16xi32>, vector<16xi1> -> vector<16xi32>
    %reduce_sum3A_10 = vector.extract %reduce_sum3A_9[15] : i32 from vector<16xi32>
    %and3A = arith.constant 127 : i32
    %and3A_11 = arith.andi %reduce_sum3A_10, %and3A : i32
    %broadcast_in_dim3A_12 = vector.broadcast %and3A_11 : i32 to vector<16xi32>
    %swap3A = arith.constant 0 : i32
    %swap3A_13 = arith.index_cast %swap3A : i32 to index
    %swap3A_14 = arith.constant 0 : index
    %swap3A_15 = tpu.vector_load %arg14[%swap3A_13, %swap3A_14] {strides = array<i32>} : memref<8x16xi32, #tpu.memory_space<vmem>>, vector<16xi32>,
    tpu.vector_store %arg14[%swap3A_13, %swap3A_14], %broadcast_in_dim3A_12 {strides = array<i32>} : memref<8x16xi32, #tpu.memory_space<vmem>>, vector<16xi32>,
    %shift_right_arithmetic3A = arith.constant 7 : i32
    %shift_right_arithmetic3A_16 = arith.shrsi %reduce_sum3A_10, %shift_right_arithmetic3A : i32
    %shift_left3A = arith.constant 7 : i32
    %shift_left3A_17 = arith.shli %shift_right_arithmetic3A_16, %shift_left3A : i32
    %multiple_of3A = tpu.assume_multiple %shift_left3A_17, 128 : i32
    %dma_start3A = arith.constant 0 : i32
    %dma_start3A_18 = arith.constant 0 : i32
    %dma_start3A_19 = tpu.memref_slice %arg6[%dma_start3A, %dma_start3A_18] : memref<64x128xf32, #tpu.memory_space<vmem>> -> memref<32x128xf32, #tpu.memory_space<vmem>>
    %dma_start3A_20 = arith.constant 0 : i32
    %dma_start3A_21 = tpu.memref_slice %arg3[%dma_start3A_20, %multiple_of3A] : memref<64x1000000xf32, #tpu.memory_space<hbm>> -> memref<32x128xf32, #tpu.memory_space<hbm>>
    %dma_start3A_22 = arith.constant 0 : i32
    %dma_start3A_23 = arith.constant 0 : i32
    %dma_start3A_24 = tpu.memref_slice %arg6[%dma_start3A_22, %dma_start3A_23] : memref<64x128xf32, #tpu.memory_space<vmem>> -> memref<32x128xf32, #tpu.memory_space<vmem>>
    %dma_start3A_25 = arith.constant 0 : i32
    %dma_start3A_26 = tpu.memref_slice %arg3[%dma_start3A_25, %multiple_of3A] : memref<64x1000000xf32, #tpu.memory_space<hbm>> -> memref<32x128xf32, #tpu.memory_space<hbm>>
    tpu.enqueue_dma source(%dma_start3A_26 : memref<32x128xf32, #tpu.memory_space<hbm>>) target(%dma_start3A_24 : memref<32x128xf32, #tpu.memory_space<vmem>>) target_semaphore(%arg16 : memref<!tpu.dma_semaphore, #tpu.memory_space<semaphore_mem>>)
    %dma_start3A_27 = arith.constant 32 : i32
    %dma_start3A_28 = arith.constant 0 : i32
    %dma_start3A_29 = tpu.memref_slice %arg6[%dma_start3A_27, %dma_start3A_28] : memref<64x128xf32, #tpu.memory_space<vmem>> -> memref<32x128xf32, #tpu.memory_space<vmem>>
    %dma_start3A_30 = arith.constant 32 : i32
    %dma_start3A_31 = tpu.memref_slice %arg3[%dma_start3A_30, %multiple_of3A] : memref<64x1000000xf32, #tpu.memory_space<hbm>> -> memref<32x128xf32, #tpu.memory_space<hbm>>
    %dma_start3A_32 = arith.constant 32 : i32
    %dma_start3A_33 = arith.constant 0 : i32
    %dma_start3A_34 = tpu.memref_slice %arg6[%dma_start3A_32, %dma_start3A_33] : memref<64x128xf32, #tpu.memory_space<vmem>> -> memref<32x128xf32, #tpu.memory_space<vmem>>
    %dma_start3A_35 = arith.constant 32 : i32
    %dma_start3A_36 = tpu.memref_slice %arg3[%dma_start3A_35, %multiple_of3A] : memref<64x1000000xf32, #tpu.memory_space<hbm>> -> memref<32x128xf32, #tpu.memory_space<hbm>>
    tpu.enqueue_dma source(%dma_start3A_36 : memref<32x128xf32, #tpu.memory_space<hbm>>) target(%dma_start3A_34 : memref<32x128xf32, #tpu.memory_space<vmem>>) target_semaphore(%arg16 : memref<!tpu.dma_semaphore, #tpu.memory_space<semaphore_mem>>)
    %get3A_37 = arith.constant 0 : i32
    %get3A_38 = arith.index_cast %get3A_37 : i32 to index
    %get3A_39 = arith.constant 0 : index
    %get3A_40 = tpu.vector_load %arg5[%get3A_38, %get3A_39] {strides = array<i32>} : memref<4x128xi32, #tpu.memory_space<vmem>>, vector<16xi32>,
    %iota3A_41 = tpu.iota {dimensions = array<i32: 0>} : vector<16xi32>
    %eq3A_42 = arith.constant 1 : i32
    %eq3A_43 = vector.broadcast %eq3A_42 : i32 to vector<16xi32>
    %eq3A_44 = arith.cmpi eq, %iota3A_41, %eq3A_43 : vector<16xi32>
    %jit3A_45 = arith.constant 0 : i32
    %broadcast_in_dim3A_46 = vector.broadcast %jit3A_45 : i32 to vector<16xi32>
    %select_n3A_47 = arith.select %eq3A_44, %get3A_40, %broadcast_in_dim3A_46 : vector<16xi1>, vector<16xi32>
    %reduce_sum3A_48 = arith.constant true
    %reduce_sum3A_49 = vector.broadcast %reduce_sum3A_48 : i1 to vector<16xi1>
    %reduce_sum3A_50 = tpu.scan <sum>, %select_n3A_47 masked %reduce_sum3A_49 : vector<16xi32>, vector<16xi1> -> vector<16xi32>
    %reduce_sum3A_51 = vector.extract %reduce_sum3A_50[15] : i32 from vector<16xi32>
    %and3A_52 = arith.constant 127 : i32
    %and3A_53 = arith.andi %reduce_sum3A_51, %and3A_52 : i32
    %broadcast_in_dim3A_54 = vector.broadcast %and3A_53 : i32 to vector<16xi32>
    %swap3A_55 = arith.constant 1 : i32
    %swap3A_56 = arith.index_cast %swap3A_55 : i32 to index
    %swap3A_57 = arith.constant 0 : index
    %swap3A_58 = tpu.vector_load %arg14[%swap3A_56, %swap3A_57] {strides = array<i32>} : memref<8x16xi32, #tpu.memory_space<vmem>>, vector<16xi32>,
    tpu.vector_store %arg14[%swap3A_56, %swap3A_57], %broadcast_in_dim3A_54 {strides = array<i32>} : memref<8x16xi32, #tpu.memory_space<vmem>>, vector<16xi32>,
    %shift_right_arithmetic3A_59 = arith.constant 7 : i32
    %shift_right_arithmetic3A_60 = arith.shrsi %reduce_sum3A_51, %shift_right_arithmetic3A_59 : i32
    %shift_left3A_61 = arith.constant 7 : i32
    %shift_left3A_62 = arith.shli %shift_right_arithmetic3A_60, %shift_left3A_61 : i32
    %multiple_of3A_63 = tpu.assume_multiple %shift_left3A_62, 128 : i32
    %dma_start3A_64 = arith.constant 0 : i32
    %dma_start3A_65 = arith.constant 0 : i32
    %dma_start3A_66 = tpu.memref_slice %arg7[%dma_start3A_64, %dma_start3A_65] : memref<64x128xf32, #tpu.memory_space<vmem>> -> memref<32x128xf32, #tpu.memory_space<vmem>>
    %dma_start3A_67 = arith.constant 0 : i32
    %dma_start3A_68 = tpu.memref_slice %arg3[%dma_start3A_67, %multiple_of3A_63] : memref<64x1000000xf32, #tpu.memory_space<hbm>> -> memref<32x128xf32, #tpu.memory_space<hbm>>
    %dma_start3A_69 = arith.constant 0 : i32
    %dma_start3A_70 = arith.constant 0 : i32
    %dma_start3A_71 = tpu.memref_slice %arg7[%dma_start3A_69, %dma_start3A_70] : memref<64x128xf32, #tpu.memory_space<vmem>> -> memref<32x128xf32, #tpu.memory_space<vmem>>
    %dma_start3A_72 = arith.constant 0 : i32
    %dma_start3A_73 = tpu.memref_slice %arg3[%dma_start3A_72, %multiple_of3A_63] : memref<64x1000000xf32, #tpu.memory_space<hbm>> -> memref<32x128xf32, #tpu.memory_space<hbm>>
    tpu.enqueue_dma source(%dma_start3A_73 : memref<32x128xf32, #tpu.memory_space<hbm>>) target(%dma_start3A_71 : memref<32x128xf32, #tpu.memory_space<vmem>>) target_semaphore(%arg17 : memref<!tpu.dma_semaphore, #tpu.memory_space<semaphore_mem>>)
    %dma_start3A_74 = arith.constant 32 : i32
    %dma_start3A_75 = arith.constant 0 : i32
    %dma_start3A_76 = tpu.memref_slice %arg7[%dma_start3A_74, %dma_start3A_75] : memref<64x128xf32, #tpu.memory_space<vmem>> -> memref<32x128xf32, #tpu.memory_space<vmem>>
    %dma_start3A_77 = arith.constant 32 : i32
    %dma_start3A_78 = tpu.memref_slice %arg3[%dma_start3A_77, %multiple_of3A_63] : memref<64x1000000xf32, #tpu.memory_space<hbm>> -> memref<32x128xf32, #tpu.memory_space<hbm>>
    %dma_start3A_79 = arith.constant 32 : i32
    %dma_start3A_80 = arith.constant 0 : i32
    %dma_start3A_81 = tpu.memref_slice %arg7[%dma_start3A_79, %dma_start3A_80] : memref<64x128xf32, #tpu.memory_space<vmem>> -> memref<32x128xf32, #tpu.memory_space<vmem>>
    %dma_start3A_82 = arith.constant 32 : i32
    %dma_start3A_83 = tpu.memref_slice %arg3[%dma_start3A_82, %multiple_of3A_63] : memref<64x1000000xf32, #tpu.memory_space<hbm>> -> memref<32x128xf32, #tpu.memory_space<hbm>>
    tpu.enqueue_dma source(%dma_start3A_83 : memref<32x128xf32, #tpu.memory_space<hbm>>) target(%dma_start3A_81 : memref<32x128xf32, #tpu.memory_space<vmem>>) target_semaphore(%arg17 : memref<!tpu.dma_semaphore, #tpu.memory_space<semaphore_mem>>)
    %get3A_84 = arith.constant 0 : i32
    %get3A_85 = arith.index_cast %get3A_84 : i32 to index
    %get3A_86 = arith.constant 0 : index
    %get3A_87 = tpu.vector_load %arg5[%get3A_85, %get3A_86] {strides = array<i32>} : memref<4x128xi32, #tpu.memory_space<vmem>>, vector<16xi32>,
    %iota3A_88 = tpu.iota {dimensions = array<i32: 0>} : vector<16xi32>
    %eq3A_89 = arith.constant 2 : i32
    %eq3A_90 = vector.broadcast %eq3A_89 : i32 to vector<16xi32>
    %eq3A_91 = arith.cmpi eq, %iota3A_88, %eq3A_90 : vector<16xi32>
    %jit3A_92 = arith.constant 0 : i32
    %broadcast_in_dim3A_93 = vector.broadcast %jit3A_92 : i32 to vector<16xi32>
    %select_n3A_94 = arith.select %eq3A_91, %get3A_87, %broadcast_in_dim3A_93 : vector<16xi1>, vector<16xi32>
    %reduce_sum3A_95 = arith.constant true
    %reduce_sum3A_96 = vector.broadcast %reduce_sum3A_95 : i1 to vector<16xi1>
    %reduce_sum3A_97 = tpu.scan <sum>, %select_n3A_94 masked %reduce_sum3A_96 : vector<16xi32>, vector<16xi1> -> vector<16xi32>
    %reduce_sum3A_98 = vector.extract %reduce_sum3A_97[15] : i32 from vector<16xi32>
    %and3A_99 = arith.constant 127 : i32
    %and3A_100 = arith.andi %reduce_sum3A_98, %and3A_99 : i32
    %broadcast_in_dim3A_101 = vector.broadcast %and3A_100 : i32 to vector<16xi32>
    %swap3A_102 = arith.constant 2 : i32
    %swap3A_103 = arith.index_cast %swap3A_102 : i32 to index
    %swap3A_104 = arith.constant 0 : index
    %swap3A_105 = tpu.vector_load %arg14[%swap3A_103, %swap3A_104] {strides = array<i32>} : memref<8x16xi32, #tpu.memory_space<vmem>>, vector<16xi32>,
    tpu.vector_store %arg14[%swap3A_103, %swap3A_104], %broadcast_in_dim3A_101 {strides = array<i32>} : memref<8x16xi32, #tpu.memory_space<vmem>>, vector<16xi32>,
    %shift_right_arithmetic3A_106 = arith.constant 7 : i32
    %shift_right_arithmetic3A_107 = arith.shrsi %reduce_sum3A_98, %shift_right_arithmetic3A_106 : i32
    %shift_left3A_108 = arith.constant 7 : i32
    %shift_left3A_109 = arith.shli %shift_right_arithmetic3A_107, %shift_left3A_108 : i32
    %multiple_of3A_110 = tpu.assume_multiple %shift_left3A_109, 128 : i32
    %dma_start3A_111 = arith.constant 0 : i32
    %dma_start3A_112 = arith.constant 0 : i32
    %dma_start3A_113 = tpu.memref_slice %arg8[%dma_start3A_111, %dma_start3A_112] : memref<64x128xf32, #tpu.memory_space<vmem>> -> memref<32x128xf32, #tpu.memory_space<vmem>>
    %dma_start3A_114 = arith.constant 0 : i32
    %dma_start3A_115 = tpu.memref_slice %arg3[%dma_start3A_114, %multiple_of3A_110] : memref<64x1000000xf32, #tpu.memory_space<hbm>> -> memref<32x128xf32, #tpu.memory_space<hbm>>
    %dma_start3A_116 = arith.constant 0 : i32
    %dma_start3A_117 = arith.constant 0 : i32
    %dma_start3A_118 = tpu.memref_slice %arg8[%dma_start3A_116, %dma_start3A_117] : memref<64x128xf32, #tpu.memory_space<vmem>> -> memref<32x128xf32, #tpu.memory_space<vmem>>
    %dma_start3A_119 = arith.constant 0 : i32
    %dma_start3A_120 = tpu.memref_slice %arg3[%dma_start3A_119, %multiple_of3A_110] : memref<64x1000000xf32, #tpu.memory_space<hbm>> -> memref<32x128xf32, #tpu.memory_space<hbm>>
    tpu.enqueue_dma source(%dma_start3A_120 : memref<32x128xf32, #tpu.memory_space<hbm>>) target(%dma_start3A_118 : memref<32x128xf32, #tpu.memory_space<vmem>>) target_semaphore(%arg18 : memref<!tpu.dma_semaphore, #tpu.memory_space<semaphore_mem>>)
    %dma_start3A_121 = arith.constant 32 : i32
    %dma_start3A_122 = arith.constant 0 : i32
    %dma_start3A_123 = tpu.memref_slice %arg8[%dma_start3A_121, %dma_start3A_122] : memref<64x128xf32, #tpu.memory_space<vmem>> -> memref<32x128xf32, #tpu.memory_space<vmem>>
    %dma_start3A_124 = arith.constant 32 : i32
    %dma_start3A_125 = tpu.memref_slice %arg3[%dma_start3A_124, %multiple_of3A_110] : memref<64x1000000xf32, #tpu.memory_space<hbm>> -> memref<32x128xf32, #tpu.memory_space<hbm>>
    %dma_start3A_126 = arith.constant 32 : i32
    %dma_start3A_127 = arith.constant 0 : i32
    %dma_start3A_128 = tpu.memref_slice %arg8[%dma_start3A_126, %dma_start3A_127] : memref<64x128xf32, #tpu.memory_space<vmem>> -> memref<32x128xf32, #tpu.memory_space<vmem>>
    %dma_start3A_129 = arith.constant 32 : i32
    %dma_start3A_130 = tpu.memref_slice %arg3[%dma_start3A_129, %multiple_of3A_110] : memref<64x1000000xf32, #tpu.memory_space<hbm>> -> memref<32x128xf32, #tpu.memory_space<hbm>>
    tpu.enqueue_dma source(%dma_start3A_130 : memref<32x128xf32, #tpu.memory_space<hbm>>) target(%dma_start3A_128 : memref<32x128xf32, #tpu.memory_space<vmem>>) target_semaphore(%arg18 : memref<!tpu.dma_semaphore, #tpu.memory_space<semaphore_mem>>)
    %get3A_131 = arith.constant 0 : i32
    %get3A_132 = arith.index_cast %get3A_131 : i32 to index
    %get3A_133 = arith.constant 0 : index
    %get3A_134 = tpu.vector_load %arg5[%get3A_132, %get3A_133] {strides = array<i32>} : memref<4x128xi32, #tpu.memory_space<vmem>>, vector<16xi32>,
    %iota3A_135 = tpu.iota {dimensions = array<i32: 0>} : vector<16xi32>
    %eq3A_136 = arith.constant 3 : i32
    %eq3A_137 = vector.broadcast %eq3A_136 : i32 to vector<16xi32>
    %eq3A_138 = arith.cmpi eq, %iota3A_135, %eq3A_137 : vector<16xi32>
    %jit3A_139 = arith.constant 0 : i32
    %broadcast_in_dim3A_140 = vector.broadcast %jit3A_139 : i32 to vector<16xi32>
    %select_n3A_141 = arith.select %eq3A_138, %get3A_134, %broadcast_in_dim3A_140 : vector<16xi1>, vector<16xi32>
    %reduce_sum3A_142 = arith.constant true
    %reduce_sum3A_143 = vector.broadcast %reduce_sum3A_142 : i1 to vector<16xi1>
    %reduce_sum3A_144 = tpu.scan <sum>, %select_n3A_141 masked %reduce_sum3A_143 : vector<16xi32>, vector<16xi1> -> vector<16xi32>
    %reduce_sum3A_145 = vector.extract %reduce_sum3A_144[15] : i32 from vector<16xi32>
    %and3A_146 = arith.constant 127 : i32
    %and3A_147 = arith.andi %reduce_sum3A_145, %and3A_146 : i32
    %broadcast_in_dim3A_148 = vector.broadcast %and3A_147 : i32 to vector<16xi32>
    %swap3A_149 = arith.constant 3 : i32
    %swap3A_150 = arith.index_cast %swap3A_149 : i32 to index
    %swap3A_151 = arith.constant 0 : index
    %swap3A_152 = tpu.vector_load %arg14[%swap3A_150, %swap3A_151] {strides = array<i32>} : memref<8x16xi32, #tpu.memory_space<vmem>>, vector<16xi32>,
    tpu.vector_store %arg14[%swap3A_150, %swap3A_151], %broadcast_in_dim3A_148 {strides = array<i32>} : memref<8x16xi32, #tpu.memory_space<vmem>>, vector<16xi32>,
    %shift_right_arithmetic3A_153 = arith.constant 7 : i32
    %shift_right_arithmetic3A_154 = arith.shrsi %reduce_sum3A_145, %shift_right_arithmetic3A_153 : i32
    %shift_left3A_155 = arith.constant 7 : i32
    %shift_left3A_156 = arith.shli %shift_right_arithmetic3A_154, %shift_left3A_155 : i32
    %multiple_of3A_157 = tpu.assume_multiple %shift_left3A_156, 128 : i32
    %dma_start3A_158 = arith.constant 0 : i32
    %dma_start3A_159 = arith.constant 0 : i32
    %dma_start3A_160 = tpu.memref_slice %arg9[%dma_start3A_158, %dma_start3A_159] : memref<64x128xf32, #tpu.memory_space<vmem>> -> memref<32x128xf32, #tpu.memory_space<vmem>>
    %dma_start3A_161 = arith.constant 0 : i32
    %dma_start3A_162 = tpu.memref_slice %arg3[%dma_start3A_161, %multiple_of3A_157] : memref<64x1000000xf32, #tpu.memory_space<hbm>> -> memref<32x128xf32, #tpu.memory_space<hbm>>
    %dma_start3A_163 = arith.constant 0 : i32
    %dma_start3A_164 = arith.constant 0 : i32
    %dma_start3A_165 = tpu.memref_slice %arg9[%dma_start3A_163, %dma_start3A_164] : memref<64x128xf32, #tpu.memory_space<vmem>> -> memref<32x128xf32, #tpu.memory_space<vmem>>
    %dma_start3A_166 = arith.constant 0 : i32
    %dma_start3A_167 = tpu.memref_slice %arg3[%dma_start3A_166, %multiple_of3A_157] : memref<64x1000000xf32, #tpu.memory_space<hbm>> -> memref<32x128xf32, #tpu.memory_space<hbm>>
    tpu.enqueue_dma source(%dma_start3A_167 : memref<32x128xf32, #tpu.memory_space<hbm>>) target(%dma_start3A_165 : memref<32x128xf32, #tpu.memory_space<vmem>>) target_semaphore(%arg19 : memref<!tpu.dma_semaphore, #tpu.memory_space<semaphore_mem>>)
    %dma_start3A_168 = arith.constant 32 : i32
    %dma_start3A_169 = arith.constant 0 : i32
    %dma_start3A_170 = tpu.memref_slice %arg9[%dma_start3A_168, %dma_start3A_169] : memref<64x128xf32, #tpu.memory_space<vmem>> -> memref<32x128xf32, #tpu.memory_space<vmem>>
    %dma_start3A_171 = arith.constant 32 : i32
    %dma_start3A_172 = tpu.memref_slice %arg3[%dma_start3A_171, %multiple_of3A_157] : memref<64x1000000xf32, #tpu.memory_space<hbm>> -> memref<32x128xf32, #tpu.memory_space<hbm>>
    %dma_start3A_173 = arith.constant 32 : i32
    %dma_start3A_174 = arith.constant 0 : i32
    %dma_start3A_175 = tpu.memref_slice %arg9[%dma_start3A_173, %dma_start3A_174] : memref<64x128xf32, #tpu.memory_space<vmem>> -> memref<32x128xf32, #tpu.memory_space<vmem>>
    %dma_start3A_176 = arith.constant 32 : i32
    %dma_start3A_177 = tpu.memref_slice %arg3[%dma_start3A_176, %multiple_of3A_157] : memref<64x1000000xf32, #tpu.memory_space<hbm>> -> memref<32x128xf32, #tpu.memory_space<hbm>>
    tpu.enqueue_dma source(%dma_start3A_177 : memref<32x128xf32, #tpu.memory_space<hbm>>) target(%dma_start3A_175 : memref<32x128xf32, #tpu.memory_space<vmem>>) target_semaphore(%arg19 : memref<!tpu.dma_semaphore, #tpu.memory_space<semaphore_mem>>)
    %get3A_178 = arith.constant 0 : i32
    %get3A_179 = arith.index_cast %get3A_178 : i32 to index
    %get3A_180 = arith.constant 0 : index
    %get3A_181 = tpu.vector_load %arg5[%get3A_179, %get3A_180] {strides = array<i32>} : memref<4x128xi32, #tpu.memory_space<vmem>>, vector<16xi32>,
    %iota3A_182 = tpu.iota {dimensions = array<i32: 0>} : vector<16xi32>
    %eq3A_183 = arith.constant 4 : i32
    %eq3A_184 = vector.broadcast %eq3A_183 : i32 to vector<16xi32>
    %eq3A_185 = arith.cmpi eq, %iota3A_182, %eq3A_184 : vector<16xi32>
    %jit3A_186 = arith.constant 0 : i32
    %broadcast_in_dim3A_187 = vector.broadcast %jit3A_186 : i32 to vector<16xi32>
    %select_n3A_188 = arith.select %eq3A_185, %get3A_181, %broadcast_in_dim3A_187 : vector<16xi1>, vector<16xi32>
    %reduce_sum3A_189 = arith.constant true
    %reduce_sum3A_190 = vector.broadcast %reduce_sum3A_189 : i1 to vector<16xi1>
    %reduce_sum3A_191 = tpu.scan <sum>, %select_n3A_188 masked %reduce_sum3A_190 : vector<16xi32>, vector<16xi1> -> vector<16xi32>
    %reduce_sum3A_192 = vector.extract %reduce_sum3A_191[15] : i32 from vector<16xi32>
    %and3A_193 = arith.constant 127 : i32
    %and3A_194 = arith.andi %reduce_sum3A_192, %and3A_193 : i32
    %broadcast_in_dim3A_195 = vector.broadcast %and3A_194 : i32 to vector<16xi32>
    %swap3A_196 = arith.constant 4 : i32
    %swap3A_197 = arith.index_cast %swap3A_196 : i32 to index
    %swap3A_198 = arith.constant 0 : index
    %swap3A_199 = tpu.vector_load %arg14[%swap3A_197, %swap3A_198] {strides = array<i32>} : memref<8x16xi32, #tpu.memory_space<vmem>>, vector<16xi32>,
    tpu.vector_store %arg14[%swap3A_197, %swap3A_198], %broadcast_in_dim3A_195 {strides = array<i32>} : memref<8x16xi32, #tpu.memory_space<vmem>>, vector<16xi32>,
    %shift_right_arithmetic3A_200 = arith.constant 7 : i32
    %shift_right_arithmetic3A_201 = arith.shrsi %reduce_sum3A_192, %shift_right_arithmetic3A_200 : i32
    %shift_left3A_202 = arith.constant 7 : i32
    %shift_left3A_203 = arith.shli %shift_right_arithmetic3A_201, %shift_left3A_202 : i32
    %multiple_of3A_204 = tpu.assume_multiple %shift_left3A_203, 128 : i32
    %dma_start3A_205 = arith.constant 0 : i32
    %dma_start3A_206 = arith.constant 0 : i32
    %dma_start3A_207 = tpu.memref_slice %arg10[%dma_start3A_205, %dma_start3A_206] : memref<64x128xf32, #tpu.memory_space<vmem>> -> memref<32x128xf32, #tpu.memory_space<vmem>>
    %dma_start3A_208 = arith.constant 0 : i32
    %dma_start3A_209 = tpu.memref_slice %arg3[%dma_start3A_208, %multiple_of3A_204] : memref<64x1000000xf32, #tpu.memory_space<hbm>> -> memref<32x128xf32, #tpu.memory_space<hbm>>
    %dma_start3A_210 = arith.constant 0 : i32
    %dma_start3A_211 = arith.constant 0 : i32
    %dma_start3A_212 = tpu.memref_slice %arg10[%dma_start3A_210, %dma_start3A_211] : memref<64x128xf32, #tpu.memory_space<vmem>> -> memref<32x128xf32, #tpu.memory_space<vmem>>
    %dma_start3A_213 = arith.constant 0 : i32
    %dma_start3A_214 = tpu.memref_slice %arg3[%dma_start3A_213, %multiple_of3A_204] : memref<64x1000000xf32, #tpu.memory_space<hbm>> -> memref<32x128xf32, #tpu.memory_space<hbm>>
    tpu.enqueue_dma source(%dma_start3A_214 : memref<32x128xf32, #tpu.memory_space<hbm>>) target(%dma_start3A_212 : memref<32x128xf32, #tpu.memory_space<vmem>>) target_semaphore(%arg20 : memref<!tpu.dma_semaphore, #tpu.memory_space<semaphore_mem>>)
    %dma_start3A_215 = arith.constant 32 : i32
    %dma_start3A_216 = arith.constant 0 : i32
    %dma_start3A_217 = tpu.memref_slice %arg10[%dma_start3A_215, %dma_start3A_216] : memref<64x128xf32, #tpu.memory_space<vmem>> -> memref<32x128xf32, #tpu.memory_space<vmem>>
    %dma_start3A_218 = arith.constant 32 : i32
    %dma_start3A_219 = tpu.memref_slice %arg3[%dma_start3A_218, %multiple_of3A_204] : memref<64x1000000xf32, #tpu.memory_space<hbm>> -> memref<32x128xf32, #tpu.memory_space<hbm>>
    %dma_start3A_220 = arith.constant 32 : i32
    %dma_start3A_221 = arith.constant 0 : i32
    %dma_start3A_222 = tpu.memref_slice %arg10[%dma_start3A_220, %dma_start3A_221] : memref<64x128xf32, #tpu.memory_space<vmem>> -> memref<32x128xf32, #tpu.memory_space<vmem>>
    %dma_start3A_223 = arith.constant 32 : i32
    %dma_start3A_224 = tpu.memref_slice %arg3[%dma_start3A_223, %multiple_of3A_204] : memref<64x1000000xf32, #tpu.memory_space<hbm>> -> memref<32x128xf32, #tpu.memory_space<hbm>>
    tpu.enqueue_dma source(%dma_start3A_224 : memref<32x128xf32, #tpu.memory_space<hbm>>) target(%dma_start3A_222 : memref<32x128xf32, #tpu.memory_space<vmem>>) target_semaphore(%arg20 : memref<!tpu.dma_semaphore, #tpu.memory_space<semaphore_mem>>)
    %get3A_225 = arith.constant 0 : i32
    %get3A_226 = arith.index_cast %get3A_225 : i32 to index
    %get3A_227 = arith.constant 0 : index
    %get3A_228 = tpu.vector_load %arg5[%get3A_226, %get3A_227] {strides = array<i32>} : memref<4x128xi32, #tpu.memory_space<vmem>>, vector<16xi32>,
    %iota3A_229 = tpu.iota {dimensions = array<i32: 0>} : vector<16xi32>
    %eq3A_230 = arith.constant 5 : i32
    %eq3A_231 = vector.broadcast %eq3A_230 : i32 to vector<16xi32>
    %eq3A_232 = arith.cmpi eq, %iota3A_229, %eq3A_231 : vector<16xi32>
    %jit3A_233 = arith.constant 0 : i32
    %broadcast_in_dim3A_234 = vector.broadcast %jit3A_233 : i32 to vector<16xi32>
    %select_n3A_235 = arith.select %eq3A_232, %get3A_228, %broadcast_in_dim3A_234 : vector<16xi1>, vector<16xi32>
    %reduce_sum3A_236 = arith.constant true
    %reduce_sum3A_237 = vector.broadcast %reduce_sum3A_236 : i1 to vector<16xi1>
    %reduce_sum3A_238 = tpu.scan <sum>, %select_n3A_235 masked %reduce_sum3A_237 : vector<16xi32>, vector<16xi1> -> vector<16xi32>
    %reduce_sum3A_239 = vector.extract %reduce_sum3A_238[15] : i32 from vector<16xi32>
    %and3A_240 = arith.constant 127 : i32
    %and3A_241 = arith.andi %reduce_sum3A_239, %and3A_240 : i32
    %broadcast_in_dim3A_242 = vector.broadcast %and3A_241 : i32 to vector<16xi32>
    %swap3A_243 = arith.constant 5 : i32
    %swap3A_244 = arith.index_cast %swap3A_243 : i32 to index
    %swap3A_245 = arith.constant 0 : index
    %swap3A_246 = tpu.vector_load %arg14[%swap3A_244, %swap3A_245] {strides = array<i32>} : memref<8x16xi32, #tpu.memory_space<vmem>>, vector<16xi32>,
    tpu.vector_store %arg14[%swap3A_244, %swap3A_245], %broadcast_in_dim3A_242 {strides = array<i32>} : memref<8x16xi32, #tpu.memory_space<vmem>>, vector<16xi32>,
    %shift_right_arithmetic3A_247 = arith.constant 7 : i32
    %shift_right_arithmetic3A_248 = arith.shrsi %reduce_sum3A_239, %shift_right_arithmetic3A_247 : i32
    %shift_left3A_249 = arith.constant 7 : i32
    %shift_left3A_250 = arith.shli %shift_right_arithmetic3A_248, %shift_left3A_249 : i32
    %multiple_of3A_251 = tpu.assume_multiple %shift_left3A_250, 128 : i32
    %dma_start3A_252 = arith.constant 0 : i32
    %dma_start3A_253 = arith.constant 0 : i32
    %dma_start3A_254 = tpu.memref_slice %arg11[%dma_start3A_252, %dma_start3A_253] : memref<64x128xf32, #tpu.memory_space<vmem>> -> memref<32x128xf32, #tpu.memory_space<vmem>>
    %dma_start3A_255 = arith.constant 0 : i32
    %dma_start3A_256 = tpu.memref_slice %arg3[%dma_start3A_255, %multiple_of3A_251] : memref<64x1000000xf32, #tpu.memory_space<hbm>> -> memref<32x128xf32, #tpu.memory_space<hbm>>
    %dma_start3A_257 = arith.constant 0 : i32
    %dma_start3A_258 = arith.constant 0 : i32
    %dma_start3A_259 = tpu.memref_slice %arg11[%dma_start3A_257, %dma_start3A_258] : memref<64x128xf32, #tpu.memory_space<vmem>> -> memref<32x128xf32, #tpu.memory_space<vmem>>
    %dma_start3A_260 = arith.constant 0 : i32
    %dma_start3A_261 = tpu.memref_slice %arg3[%dma_start3A_260, %multiple_of3A_251] : memref<64x1000000xf32, #tpu.memory_space<hbm>> -> memref<32x128xf32, #tpu.memory_space<hbm>>
    tpu.enqueue_dma source(%dma_start3A_261 : memref<32x128xf32, #tpu.memory_space<hbm>>) target(%dma_start3A_259 : memref<32x128xf32, #tpu.memory_space<vmem>>) target_semaphore(%arg21 : memref<!tpu.dma_semaphore, #tpu.memory_space<semaphore_mem>>)
    %dma_start3A_262 = arith.constant 32 : i32
    %dma_start3A_263 = arith.constant 0 : i32
    %dma_start3A_264 = tpu.memref_slice %arg11[%dma_start3A_262, %dma_start3A_263] : memref<64x128xf32, #tpu.memory_space<vmem>> -> memref<32x128xf32, #tpu.memory_space<vmem>>
    %dma_start3A_265 = arith.constant 32 : i32
    %dma_start3A_266 = tpu.memref_slice %arg3[%dma_start3A_265, %multiple_of3A_251] : memref<64x1000000xf32, #tpu.memory_space<hbm>> -> memref<32x128xf32, #tpu.memory_space<hbm>>
    %dma_start3A_267 = arith.constant 32 : i32
    %dma_start3A_268 = arith.constant 0 : i32
    %dma_start3A_269 = tpu.memref_slice %arg11[%dma_start3A_267, %dma_start3A_268] : memref<64x128xf32, #tpu.memory_space<vmem>> -> memref<32x128xf32, #tpu.memory_space<vmem>>
    %dma_start3A_270 = arith.constant 32 : i32
    %dma_start3A_271 = tpu.memref_slice %arg3[%dma_start3A_270, %multiple_of3A_251] : memref<64x1000000xf32, #tpu.memory_space<hbm>> -> memref<32x128xf32, #tpu.memory_space<hbm>>
    tpu.enqueue_dma source(%dma_start3A_271 : memref<32x128xf32, #tpu.memory_space<hbm>>) target(%dma_start3A_269 : memref<32x128xf32, #tpu.memory_space<vmem>>) target_semaphore(%arg21 : memref<!tpu.dma_semaphore, #tpu.memory_space<semaphore_mem>>)
    %get3A_272 = arith.constant 0 : i32
    %get3A_273 = arith.index_cast %get3A_272 : i32 to index
    %get3A_274 = arith.constant 0 : index
    %get3A_275 = tpu.vector_load %arg5[%get3A_273, %get3A_274] {strides = array<i32>} : memref<4x128xi32, #tpu.memory_space<vmem>>, vector<16xi32>,
    %iota3A_276 = tpu.iota {dimensions = array<i32: 0>} : vector<16xi32>
    %eq3A_277 = arith.constant 6 : i32
    %eq3A_278 = vector.broadcast %eq3A_277 : i32 to vector<16xi32>
    %eq3A_279 = arith.cmpi eq, %iota3A_276, %eq3A_278 : vector<16xi32>
    %jit3A_280 = arith.constant 0 : i32
    %broadcast_in_dim3A_281 = vector.broadcast %jit3A_280 : i32 to vector<16xi32>
    %select_n3A_282 = arith.select %eq3A_279, %get3A_275, %broadcast_in_dim3A_281 : vector<16xi1>, vector<16xi32>
    %reduce_sum3A_283 = arith.constant true
    %reduce_sum3A_284 = vector.broadcast %reduce_sum3A_283 : i1 to vector<16xi1>
    %reduce_sum3A_285 = tpu.scan <sum>, %select_n3A_282 masked %reduce_sum3A_284 : vector<16xi32>, vector<16xi1> -> vector<16xi32>
    %reduce_sum3A_286 = vector.extract %reduce_sum3A_285[15] : i32 from vector<16xi32>
    %and3A_287 = arith.constant 127 : i32
    %and3A_288 = arith.andi %reduce_sum3A_286, %and3A_287 : i32
    %broadcast_in_dim3A_289 = vector.broadcast %and3A_288 : i32 to vector<16xi32>
    %swap3A_290 = arith.constant 6 : i32
    %swap3A_291 = arith.index_cast %swap3A_290 : i32 to index
    %swap3A_292 = arith.constant 0 : index
    %swap3A_293 = tpu.vector_load %arg14[%swap3A_291, %swap3A_292] {strides = array<i32>} : memref<8x16xi32, #tpu.memory_space<vmem>>, vector<16xi32>,
    tpu.vector_store %arg14[%swap3A_291, %swap3A_292], %broadcast_in_dim3A_289 {strides = array<i32>} : memref<8x16xi32, #tpu.memory_space<vmem>>, vector<16xi32>,
    %shift_right_arithmetic3A_294 = arith.constant 7 : i32
    %shift_right_arithmetic3A_295 = arith.shrsi %reduce_sum3A_286, %shift_right_arithmetic3A_294 : i32
    %shift_left3A_296 = arith.constant 7 : i32
    %shift_left3A_297 = arith.shli %shift_right_arithmetic3A_295, %shift_left3A_296 : i32
    %multiple_of3A_298 = tpu.assume_multiple %shift_left3A_297, 128 : i32
    %dma_start3A_299 = arith.constant 0 : i32
    %dma_start3A_300 = arith.constant 0 : i32
    %dma_start3A_301 = tpu.memref_slice %arg12[%dma_start3A_299, %dma_start3A_300] : memref<64x128xf32, #tpu.memory_space<vmem>> -> memref<32x128xf32, #tpu.memory_space<vmem>>
    %dma_start3A_302 = arith.constant 0 : i32
    %dma_start3A_303 = tpu.memref_slice %arg3[%dma_start3A_302, %multiple_of3A_298] : memref<64x1000000xf32, #tpu.memory_space<hbm>> -> memref<32x128xf32, #tpu.memory_space<hbm>>
    %dma_start3A_304 = arith.constant 0 : i32
    %dma_start3A_305 = arith.constant 0 : i32
    %dma_start3A_306 = tpu.memref_slice %arg12[%dma_start3A_304, %dma_start3A_305] : memref<64x128xf32, #tpu.memory_space<vmem>> -> memref<32x128xf32, #tpu.memory_space<vmem>>
    %dma_start3A_307 = arith.constant 0 : i32
    %dma_start3A_308 = tpu.memref_slice %arg3[%dma_start3A_307, %multiple_of3A_298] : memref<64x1000000xf32, #tpu.memory_space<hbm>> -> memref<32x128xf32, #tpu.memory_space<hbm>>
    tpu.enqueue_dma source(%dma_start3A_308 : memref<32x128xf32, #tpu.memory_space<hbm>>) target(%dma_start3A_306 : memref<32x128xf32, #tpu.memory_space<vmem>>) target_semaphore(%arg22 : memref<!tpu.dma_semaphore, #tpu.memory_space<semaphore_mem>>)
    %dma_start3A_309 = arith.constant 32 : i32
    %dma_start3A_310 = arith.constant 0 : i32
    %dma_start3A_311 = tpu.memref_slice %arg12[%dma_start3A_309, %dma_start3A_310] : memref<64x128xf32, #tpu.memory_space<vmem>> -> memref<32x128xf32, #tpu.memory_space<vmem>>
    %dma_start3A_312 = arith.constant 32 : i32
    %dma_start3A_313 = tpu.memref_slice %arg3[%dma_start3A_312, %multiple_of3A_298] : memref<64x1000000xf32, #tpu.memory_space<hbm>> -> memref<32x128xf32, #tpu.memory_space<hbm>>
    %dma_start3A_314 = arith.constant 32 : i32
    %dma_start3A_315 = arith.constant 0 : i32
    %dma_start3A_316 = tpu.memref_slice %arg12[%dma_start3A_314, %dma_start3A_315] : memref<64x128xf32, #tpu.memory_space<vmem>> -> memref<32x128xf32, #tpu.memory_space<vmem>>
    %dma_start3A_317 = arith.constant 32 : i32
    %dma_start3A_318 = tpu.memref_slice %arg3[%dma_start3A_317, %multiple_of3A_298] : memref<64x1000000xf32, #tpu.memory_space<hbm>> -> memref<32x128xf32, #tpu.memory_space<hbm>>
    tpu.enqueue_dma source(%dma_start3A_318 : memref<32x128xf32, #tpu.memory_space<hbm>>) target(%dma_start3A_316 : memref<32x128xf32, #tpu.memory_space<vmem>>) target_semaphore(%arg22 : memref<!tpu.dma_semaphore, #tpu.memory_space<semaphore_mem>>)
    %get3A_319 = arith.constant 0 : i32
    %get3A_320 = arith.index_cast %get3A_319 : i32 to index
    %get3A_321 = arith.constant 0 : index
    %get3A_322 = tpu.vector_load %arg5[%get3A_320, %get3A_321] {strides = array<i32>} : memref<4x128xi32, #tpu.memory_space<vmem>>, vector<16xi32>,
    %iota3A_323 = tpu.iota {dimensions = array<i32: 0>} : vector<16xi32>
    %eq3A_324 = arith.constant 7 : i32
    %eq3A_325 = vector.broadcast %eq3A_324 : i32 to vector<16xi32>
    %eq3A_326 = arith.cmpi eq, %iota3A_323, %eq3A_325 : vector<16xi32>
    %jit3A_327 = arith.constant 0 : i32
    %broadcast_in_dim3A_328 = vector.broadcast %jit3A_327 : i32 to vector<16xi32>
    %select_n3A_329 = arith.select %eq3A_326, %get3A_322, %broadcast_in_dim3A_328 : vector<16xi1>, vector<16xi32>
    %reduce_sum3A_330 = arith.constant true
    %reduce_sum3A_331 = vector.broadcast %reduce_sum3A_330 : i1 to vector<16xi1>
    %reduce_sum3A_332 = tpu.scan <sum>, %select_n3A_329 masked %reduce_sum3A_331 : vector<16xi32>, vector<16xi1> -> vector<16xi32>
    %reduce_sum3A_333 = vector.extract %reduce_sum3A_332[15] : i32 from vector<16xi32>
    %and3A_334 = arith.constant 127 : i32
    %and3A_335 = arith.andi %reduce_sum3A_333, %and3A_334 : i32
    %broadcast_in_dim3A_336 = vector.broadcast %and3A_335 : i32 to vector<16xi32>
    %swap3A_337 = arith.constant 7 : i32
    %swap3A_338 = arith.index_cast %swap3A_337 : i32 to index
    %swap3A_339 = arith.constant 0 : index
    %swap3A_340 = tpu.vector_load %arg14[%swap3A_338, %swap3A_339] {strides = array<i32>} : memref<8x16xi32, #tpu.memory_space<vmem>>, vector<16xi32>,
    tpu.vector_store %arg14[%swap3A_338, %swap3A_339], %broadcast_in_dim3A_336 {strides = array<i32>} : memref<8x16xi32, #tpu.memory_space<vmem>>, vector<16xi32>,
    %shift_right_arithmetic3A_341 = arith.constant 7 : i32
    %shift_right_arithmetic3A_342 = arith.shrsi %reduce_sum3A_333, %shift_right_arithmetic3A_341 : i32
    %shift_left3A_343 = arith.constant 7 : i32
    %shift_left3A_344 = arith.shli %shift_right_arithmetic3A_342, %shift_left3A_343 : i32
    %multiple_of3A_345 = tpu.assume_multiple %shift_left3A_344, 128 : i32
    %dma_start3A_346 = arith.constant 0 : i32
    %dma_start3A_347 = arith.constant 0 : i32
    %dma_start3A_348 = tpu.memref_slice %arg13[%dma_start3A_346, %dma_start3A_347] : memref<64x128xf32, #tpu.memory_space<vmem>> -> memref<32x128xf32, #tpu.memory_space<vmem>>
    %dma_start3A_349 = arith.constant 0 : i32
    %dma_start3A_350 = tpu.memref_slice %arg3[%dma_start3A_349, %multiple_of3A_345] : memref<64x1000000xf32, #tpu.memory_space<hbm>> -> memref<32x128xf32, #tpu.memory_space<hbm>>
    %dma_start3A_351 = arith.constant 0 : i32
    %dma_start3A_352 = arith.constant 0 : i32
    %dma_start3A_353 = tpu.memref_slice %arg13[%dma_start3A_351, %dma_start3A_352] : memref<64x128xf32, #tpu.memory_space<vmem>> -> memref<32x128xf32, #tpu.memory_space<vmem>>
    %dma_start3A_354 = arith.constant 0 : i32
    %dma_start3A_355 = tpu.memref_slice %arg3[%dma_start3A_354, %multiple_of3A_345] : memref<64x1000000xf32, #tpu.memory_space<hbm>> -> memref<32x128xf32, #tpu.memory_space<hbm>>
    tpu.enqueue_dma source(%dma_start3A_355 : memref<32x128xf32, #tpu.memory_space<hbm>>) target(%dma_start3A_353 : memref<32x128xf32, #tpu.memory_space<vmem>>) target_semaphore(%arg23 : memref<!tpu.dma_semaphore, #tpu.memory_space<semaphore_mem>>)
    %dma_start3A_356 = arith.constant 32 : i32
    %dma_start3A_357 = arith.constant 0 : i32
    %dma_start3A_358 = tpu.memref_slice %arg13[%dma_start3A_356, %dma_start3A_357] : memref<64x128xf32, #tpu.memory_space<vmem>> -> memref<32x128xf32, #tpu.memory_space<vmem>>
    %dma_start3A_359 = arith.constant 32 : i32
    %dma_start3A_360 = tpu.memref_slice %arg3[%dma_start3A_359, %multiple_of3A_345] : memref<64x1000000xf32, #tpu.memory_space<hbm>> -> memref<32x128xf32, #tpu.memory_space<hbm>>
    %dma_start3A_361 = arith.constant 32 : i32
    %dma_start3A_362 = arith.constant 0 : i32
    %dma_start3A_363 = tpu.memref_slice %arg13[%dma_start3A_361, %dma_start3A_362] : memref<64x128xf32, #tpu.memory_space<vmem>> -> memref<32x128xf32, #tpu.memory_space<vmem>>
    %dma_start3A_364 = arith.constant 32 : i32
    %dma_start3A_365 = tpu.memref_slice %arg3[%dma_start3A_364, %multiple_of3A_345] : memref<64x1000000xf32, #tpu.memory_space<hbm>> -> memref<32x128xf32, #tpu.memory_space<hbm>>
    tpu.enqueue_dma source(%dma_start3A_365 : memref<32x128xf32, #tpu.memory_space<hbm>>) target(%dma_start3A_363 : memref<32x128xf32, #tpu.memory_space<vmem>>) target_semaphore(%arg23 : memref<!tpu.dma_semaphore, #tpu.memory_space<semaphore_mem>>)
    %scan3A = arith.constant 0 : i32
    %scan3A_366 = arith.constant 64 : i32
    %scan3A_367 = arith.addi %scan3A, %scan3A_366 : i32
    %scan3A_368 = arith.constant 1 : i32
    scf.for %scan3A_372 = %scan3A to %scan3A_367 step %scan3A_368  : i32 {
      %mul3A_373 = arith.constant 1 : i32
      %mul3A_374 = arith.muli %scan3A_372, %mul3A_373 : i32
      %add3A_375 = arith.constant 0 : i32
      %add3A_376 = arith.addi %add3A_375, %mul3A_374 : i32
      %mul3A_377 = arith.constant 8 : i32
      %mul3A_378 = arith.muli %add3A_376, %mul3A_377 : i32
      %add3A_379 = arith.constant 0 : i32
      %add3A_380 = arith.addi %mul3A_378, %add3A_379 : i32
      %dma_wait3A = arith.constant 0 : i32
      %dma_wait3A_381 = arith.constant 0 : i32
      %dma_wait3A_382 = tpu.memref_slice %arg3[%dma_wait3A, %dma_wait3A_381] : memref<64x1000000xf32, #tpu.memory_space<hbm>> -> memref<64x128xf32, #tpu.memory_space<hbm>>
      %dma_wait3A_383 = arith.constant 0 : i32
      %dma_wait3A_384 = arith.constant 0 : i32
      %dma_wait3A_385 = tpu.memref_slice %arg3[%dma_wait3A_383, %dma_wait3A_384] : memref<64x1000000xf32, #tpu.memory_space<hbm>> -> memref<64x128xf32, #tpu.memory_space<hbm>>
      tpu.wait_dma2 semaphore(%arg16 : memref<!tpu.dma_semaphore, #tpu.memory_space<semaphore_mem>>) src(%dma_wait3A_385 : memref<64x128xf32, #tpu.memory_space<hbm>>) dst(%arg6 : memref<64x128xf32, #tpu.memory_space<vmem>>)
      %get3A_386 = arith.constant 0 : i32
      %get3A_387 = arith.index_cast %get3A_386 : i32 to index
      %get3A_388 = arith.constant 0 : index
      %get3A_389 = tpu.vector_load %arg14[%get3A_387, %get3A_388] {strides = array<i32>} : memref<8x16xi32, #tpu.memory_space<vmem>>, vector<16xi32>,
      %broadcast_in_dim3A_390 = vector.broadcast %add3A_380 : i32 to vector<16xi32>
      %iota3A_391 = tpu.iota {dimensions = array<i32: 0>} : vector<16xi32>
      %add3A_392 = arith.constant 0 : i32
      %add3A_393 = vector.broadcast %add3A_392 : i32 to vector<16xi32>
      %add3A_394 = arith.addi %iota3A_391, %add3A_393 : vector<16xi32>
      %gather3A = tpu.vector_load_idx %arg6[%add3A_394, %get3A_389] : memref<64x128xf32, #tpu.memory_space<vmem>>[vector<16xi32>, vector<16xi32>], vector<16xf32>,
      tpu.vector_store_idx %arg15[%add3A_394, %broadcast_in_dim3A_390], %gather3A : memref<64x512xf32, #tpu.memory_space<vmem>>[vector<16xi32>, vector<16xi32>], vector<16xf32>,
      %iota3A_395 = tpu.iota {dimensions = array<i32: 0>} : vector<16xi32>
      %add3A_396 = arith.constant 16 : i32
      %add3A_397 = vector.broadcast %add3A_396 : i32 to vector<16xi32>
      %add3A_398 = arith.addi %iota3A_395, %add3A_397 : vector<16xi32>
      %gather3A_399 = tpu.vector_load_idx %arg6[%add3A_398, %get3A_389] : memref<64x128xf32, #tpu.memory_space<vmem>>[vector<16xi32>, vector<16xi32>], vector<16xf32>,
      tpu.vector_store_idx %arg15[%add3A_398, %broadcast_in_dim3A_390], %gather3A_399 : memref<64x512xf32, #tpu.memory_space<vmem>>[vector<16xi32>, vector<16xi32>], vector<16xf32>,
      %iota3A_400 = tpu.iota {dimensions = array<i32: 0>} : vector<16xi32>
      %add3A_401 = arith.constant 32 : i32
      %add3A_402 = vector.broadcast %add3A_401 : i32 to vector<16xi32>
      %add3A_403 = arith.addi %iota3A_400, %add3A_402 : vector<16xi32>
      %gather3A_404 = tpu.vector_load_idx %arg6[%add3A_403, %get3A_389] : memref<64x128xf32, #tpu.memory_space<vmem>>[vector<16xi32>, vector<16xi32>], vector<16xf32>,
      tpu.vector_store_idx %arg15[%add3A_403, %broadcast_in_dim3A_390], %gather3A_404 : memref<64x512xf32, #tpu.memory_space<vmem>>[vector<16xi32>, vector<16xi32>], vector<16xf32>,
      %iota3A_405 = tpu.iota {dimensions = array<i32: 0>} : vector<16xi32>
      %add3A_406 = arith.constant 48 : i32
      %add3A_407 = vector.broadcast %add3A_406 : i32 to vector<16xi32>
      %add3A_408 = arith.addi %iota3A_405, %add3A_407 : vector<16xi32>
      %gather3A_409 = tpu.vector_load_idx %arg6[%add3A_408, %get3A_389] : memref<64x128xf32, #tpu.memory_space<vmem>>[vector<16xi32>, vector<16xi32>], vector<16xf32>,
      tpu.vector_store_idx %arg15[%add3A_408, %broadcast_in_dim3A_390], %gather3A_409 : memref<64x512xf32, #tpu.memory_space<vmem>>[vector<16xi32>, vector<16xi32>], vector<16xf32>,
      %add3A_410 = arith.constant 8 : i32
      %add3A_411 = arith.addi %add3A_380, %add3A_410 : i32
      %lt3A = arith.constant 512 : i32
      %lt3A_412 = arith.cmpi slt, %add3A_411, %lt3A : i32
      %convert_element_type3A = arith.extui %lt3A_412 : i1 to i32
      %cond3A = arith.constant 0 : i32
      %cond3A_413 = arith.cmpi ne, %convert_element_type3A, %cond3A : i32
      scf.if %cond3A_413 {
        %add3A_708 = arith.constant 8 : i32
        %add3A_709 = arith.addi %add3A_380, %add3A_708 : i32
        %shift_right_arithmetic3A_710 = arith.constant 7 : i32
        %shift_right_arithmetic3A_711 = arith.shrsi %add3A_709, %shift_right_arithmetic3A_710 : i32
        %shift_right_arithmetic3A_712 = arith.constant 4 : i32
        %shift_right_arithmetic3A_713 = arith.shrsi %add3A_709, %shift_right_arithmetic3A_712 : i32
        %and3A_714 = arith.constant 7 : i32
        %and3A_715 = arith.andi %shift_right_arithmetic3A_713, %and3A_714 : i32
        %mul3A_716 = arith.constant 16 : i32
        %mul3A_717 = arith.muli %and3A_715, %mul3A_716 : i32
        %get3A_718 = arith.index_cast %shift_right_arithmetic3A_711 : i32 to index
        %get3A_719 = arith.index_cast %mul3A_717 : i32 to index
        %get3A_720 = tpu.vector_load %arg5[%get3A_718, %get3A_719] {strides = array<i32>} : memref<4x128xi32, #tpu.memory_space<vmem>>, vector<16xi32>,
        %iota3A_721 = tpu.iota {dimensions = array<i32: 0>} : vector<16xi32>
        %and3A_722 = arith.constant 15 : i32
        %and3A_723 = arith.andi %add3A_709, %and3A_722 : i32
        %eq3A_724 = vector.broadcast %and3A_723 : i32 to vector<16xi32>
        %eq3A_725 = arith.cmpi eq, %iota3A_721, %eq3A_724 : vector<16xi32>
        %jit3A_726 = arith.constant 0 : i32
        %broadcast_in_dim3A_727 = vector.broadcast %jit3A_726 : i32 to vector<16xi32>
        %select_n3A_728 = arith.select %eq3A_725, %get3A_720, %broadcast_in_dim3A_727 : vector<16xi1>, vector<16xi32>
        %reduce_sum3A_729 = arith.constant true
        %reduce_sum3A_730 = vector.broadcast %reduce_sum3A_729 : i1 to vector<16xi1>
        %reduce_sum3A_731 = tpu.scan <sum>, %select_n3A_728 masked %reduce_sum3A_730 : vector<16xi32>, vector<16xi1> -> vector<16xi32>
        %reduce_sum3A_732 = vector.extract %reduce_sum3A_731[15] : i32 from vector<16xi32>
        %and3A_733 = arith.constant 127 : i32
        %and3A_734 = arith.andi %reduce_sum3A_732, %and3A_733 : i32
        %broadcast_in_dim3A_735 = vector.broadcast %and3A_734 : i32 to vector<16xi32>
        %swap3A_736 = arith.constant 0 : i32
        %swap3A_737 = arith.index_cast %swap3A_736 : i32 to index
        %swap3A_738 = arith.constant 0 : index
        %swap3A_739 = tpu.vector_load %arg14[%swap3A_737, %swap3A_738] {strides = array<i32>} : memref<8x16xi32, #tpu.memory_space<vmem>>, vector<16xi32>,
        tpu.vector_store %arg14[%swap3A_737, %swap3A_738], %broadcast_in_dim3A_735 {strides = array<i32>} : memref<8x16xi32, #tpu.memory_space<vmem>>, vector<16xi32>,
        %shift_right_arithmetic3A_740 = arith.constant 7 : i32
        %shift_right_arithmetic3A_741 = arith.shrsi %reduce_sum3A_732, %shift_right_arithmetic3A_740 : i32
        %shift_left3A_742 = arith.constant 7 : i32
        %shift_left3A_743 = arith.shli %shift_right_arithmetic3A_741, %shift_left3A_742 : i32
        %multiple_of3A_744 = tpu.assume_multiple %shift_left3A_743, 128 : i32
        %dma_start3A_745 = arith.constant 0 : i32
        %dma_start3A_746 = arith.constant 0 : i32
        %dma_start3A_747 = tpu.memref_slice %arg6[%dma_start3A_745, %dma_start3A_746] : memref<64x128xf32, #tpu.memory_space<vmem>> -> memref<32x128xf32, #tpu.memory_space<vmem>>
        %dma_start3A_748 = arith.constant 0 : i32
        %dma_start3A_749 = tpu.memref_slice %arg3[%dma_start3A_748, %multiple_of3A_744] : memref<64x1000000xf32, #tpu.memory_space<hbm>> -> memref<32x128xf32, #tpu.memory_space<hbm>>
        %dma_start3A_750 = arith.constant 0 : i32
        %dma_start3A_751 = arith.constant 0 : i32
        %dma_start3A_752 = tpu.memref_slice %arg6[%dma_start3A_750, %dma_start3A_751] : memref<64x128xf32, #tpu.memory_space<vmem>> -> memref<32x128xf32, #tpu.memory_space<vmem>>
        %dma_start3A_753 = arith.constant 0 : i32
        %dma_start3A_754 = tpu.memref_slice %arg3[%dma_start3A_753, %multiple_of3A_744] : memref<64x1000000xf32, #tpu.memory_space<hbm>> -> memref<32x128xf32, #tpu.memory_space<hbm>>
        tpu.enqueue_dma source(%dma_start3A_754 : memref<32x128xf32, #tpu.memory_space<hbm>>) target(%dma_start3A_752 : memref<32x128xf32, #tpu.memory_space<vmem>>) target_semaphore(%arg16 : memref<!tpu.dma_semaphore, #tpu.memory_space<semaphore_mem>>)
        %dma_start3A_755 = arith.constant 32 : i32
        %dma_start3A_756 = arith.constant 0 : i32
        %dma_start3A_757 = tpu.memref_slice %arg6[%dma_start3A_755, %dma_start3A_756] : memref<64x128xf32, #tpu.memory_space<vmem>> -> memref<32x128xf32, #tpu.memory_space<vmem>>
        %dma_start3A_758 = arith.constant 32 : i32
        %dma_start3A_759 = tpu.memref_slice %arg3[%dma_start3A_758, %multiple_of3A_744] : memref<64x1000000xf32, #tpu.memory_space<hbm>> -> memref<32x128xf32, #tpu.memory_space<hbm>>
        %dma_start3A_760 = arith.constant 32 : i32
        %dma_start3A_761 = arith.constant 0 : i32
        %dma_start3A_762 = tpu.memref_slice %arg6[%dma_start3A_760, %dma_start3A_761] : memref<64x128xf32, #tpu.memory_space<vmem>> -> memref<32x128xf32, #tpu.memory_space<vmem>>
        %dma_start3A_763 = arith.constant 32 : i32
        %dma_start3A_764 = tpu.memref_slice %arg3[%dma_start3A_763, %multiple_of3A_744] : memref<64x1000000xf32, #tpu.memory_space<hbm>> -> memref<32x128xf32, #tpu.memory_space<hbm>>
        tpu.enqueue_dma source(%dma_start3A_764 : memref<32x128xf32, #tpu.memory_space<hbm>>) target(%dma_start3A_762 : memref<32x128xf32, #tpu.memory_space<vmem>>) target_semaphore(%arg16 : memref<!tpu.dma_semaphore, #tpu.memory_space<semaphore_mem>>)
      } else {
      }
      %mul3A_414 = arith.constant 8 : i32
      %mul3A_415 = arith.muli %add3A_376, %mul3A_414 : i32
      %add3A_416 = arith.constant 1 : i32
      %add3A_417 = arith.addi %mul3A_415, %add3A_416 : i32
      %dma_wait3A_418 = arith.constant 0 : i32
      %dma_wait3A_419 = arith.constant 0 : i32
      %dma_wait3A_420 = tpu.memref_slice %arg3[%dma_wait3A_418, %dma_wait3A_419] : memref<64x1000000xf32, #tpu.memory_space<hbm>> -> memref<64x128xf32, #tpu.memory_space<hbm>>
      %dma_wait3A_421 = arith.constant 0 : i32
      %dma_wait3A_422 = arith.constant 0 : i32
      %dma_wait3A_423 = tpu.memref_slice %arg3[%dma_wait3A_421, %dma_wait3A_422] : memref<64x1000000xf32, #tpu.memory_space<hbm>> -> memref<64x128xf32, #tpu.memory_space<hbm>>
      tpu.wait_dma2 semaphore(%arg17 : memref<!tpu.dma_semaphore, #tpu.memory_space<semaphore_mem>>) src(%dma_wait3A_423 : memref<64x128xf32, #tpu.memory_space<hbm>>) dst(%arg7 : memref<64x128xf32, #tpu.memory_space<vmem>>)
      %get3A_424 = arith.constant 1 : i32
      %get3A_425 = arith.index_cast %get3A_424 : i32 to index
      %get3A_426 = arith.constant 0 : index
      %get3A_427 = tpu.vector_load %arg14[%get3A_425, %get3A_426] {strides = array<i32>} : memref<8x16xi32, #tpu.memory_space<vmem>>, vector<16xi32>,
      %broadcast_in_dim3A_428 = vector.broadcast %add3A_417 : i32 to vector<16xi32>
      %iota3A_429 = tpu.iota {dimensions = array<i32: 0>} : vector<16xi32>
      %add3A_430 = arith.constant 0 : i32
      %add3A_431 = vector.broadcast %add3A_430 : i32 to vector<16xi32>
      %add3A_432 = arith.addi %iota3A_429, %add3A_431 : vector<16xi32>
      %gather3A_433 = tpu.vector_load_idx %arg7[%add3A_432, %get3A_427] : memref<64x128xf32, #tpu.memory_space<vmem>>[vector<16xi32>, vector<16xi32>], vector<16xf32>,
      tpu.vector_store_idx %arg15[%add3A_432, %broadcast_in_dim3A_428], %gather3A_433 : memref<64x512xf32, #tpu.memory_space<vmem>>[vector<16xi32>, vector<16xi32>], vector<16xf32>,
      %iota3A_434 = tpu.iota {dimensions = array<i32: 0>} : vector<16xi32>
      %add3A_435 = arith.constant 16 : i32
      %add3A_436 = vector.broadcast %add3A_435 : i32 to vector<16xi32>
      %add3A_437 = arith.addi %iota3A_434, %add3A_436 : vector<16xi32>
      %gather3A_438 = tpu.vector_load_idx %arg7[%add3A_437, %get3A_427] : memref<64x128xf32, #tpu.memory_space<vmem>>[vector<16xi32>, vector<16xi32>], vector<16xf32>,
      tpu.vector_store_idx %arg15[%add3A_437, %broadcast_in_dim3A_428], %gather3A_438 : memref<64x512xf32, #tpu.memory_space<vmem>>[vector<16xi32>, vector<16xi32>], vector<16xf32>,
      %iota3A_439 = tpu.iota {dimensions = array<i32: 0>} : vector<16xi32>
      %add3A_440 = arith.constant 32 : i32
      %add3A_441 = vector.broadcast %add3A_440 : i32 to vector<16xi32>
      %add3A_442 = arith.addi %iota3A_439, %add3A_441 : vector<16xi32>
      %gather3A_443 = tpu.vector_load_idx %arg7[%add3A_442, %get3A_427] : memref<64x128xf32, #tpu.memory_space<vmem>>[vector<16xi32>, vector<16xi32>], vector<16xf32>,
      tpu.vector_store_idx %arg15[%add3A_442, %broadcast_in_dim3A_428], %gather3A_443 : memref<64x512xf32, #tpu.memory_space<vmem>>[vector<16xi32>, vector<16xi32>], vector<16xf32>,
      %iota3A_444 = tpu.iota {dimensions = array<i32: 0>} : vector<16xi32>
      %add3A_445 = arith.constant 48 : i32
      %add3A_446 = vector.broadcast %add3A_445 : i32 to vector<16xi32>
      %add3A_447 = arith.addi %iota3A_444, %add3A_446 : vector<16xi32>
      %gather3A_448 = tpu.vector_load_idx %arg7[%add3A_447, %get3A_427] : memref<64x128xf32, #tpu.memory_space<vmem>>[vector<16xi32>, vector<16xi32>], vector<16xf32>,
      tpu.vector_store_idx %arg15[%add3A_447, %broadcast_in_dim3A_428], %gather3A_448 : memref<64x512xf32, #tpu.memory_space<vmem>>[vector<16xi32>, vector<16xi32>], vector<16xf32>,
      %add3A_449 = arith.constant 8 : i32
      %add3A_450 = arith.addi %add3A_417, %add3A_449 : i32
      %lt3A_451 = arith.constant 512 : i32
      %lt3A_452 = arith.cmpi slt, %add3A_450, %lt3A_451 : i32
      %convert_element_type3A_453 = arith.extui %lt3A_452 : i1 to i32
      %cond3A_454 = arith.constant 0 : i32
      %cond3A_455 = arith.cmpi ne, %convert_element_type3A_453, %cond3A_454 : i32
      scf.if %cond3A_455 {
        %add3A_708 = arith.constant 8 : i32
        %add3A_709 = arith.addi %add3A_417, %add3A_708 : i32
        %shift_right_arithmetic3A_710 = arith.constant 7 : i32
        %shift_right_arithmetic3A_711 = arith.shrsi %add3A_709, %shift_right_arithmetic3A_710 : i32
        %shift_right_arithmetic3A_712 = arith.constant 4 : i32
        %shift_right_arithmetic3A_713 = arith.shrsi %add3A_709, %shift_right_arithmetic3A_712 : i32
        %and3A_714 = arith.constant 7 : i32
        %and3A_715 = arith.andi %shift_right_arithmetic3A_713, %and3A_714 : i32
        %mul3A_716 = arith.constant 16 : i32
        %mul3A_717 = arith.muli %and3A_715, %mul3A_716 : i32
        %get3A_718 = arith.index_cast %shift_right_arithmetic3A_711 : i32 to index
        %get3A_719 = arith.index_cast %mul3A_717 : i32 to index
        %get3A_720 = tpu.vector_load %arg5[%get3A_718, %get3A_719] {strides = array<i32>} : memref<4x128xi32, #tpu.memory_space<vmem>>, vector<16xi32>,
        %iota3A_721 = tpu.iota {dimensions = array<i32: 0>} : vector<16xi32>
        %and3A_722 = arith.constant 15 : i32
        %and3A_723 = arith.andi %add3A_709, %and3A_722 : i32
        %eq3A_724 = vector.broadcast %and3A_723 : i32 to vector<16xi32>
        %eq3A_725 = arith.cmpi eq, %iota3A_721, %eq3A_724 : vector<16xi32>
        %jit3A_726 = arith.constant 0 : i32
        %broadcast_in_dim3A_727 = vector.broadcast %jit3A_726 : i32 to vector<16xi32>
        %select_n3A_728 = arith.select %eq3A_725, %get3A_720, %broadcast_in_dim3A_727 : vector<16xi1>, vector<16xi32>
        %reduce_sum3A_729 = arith.constant true
        %reduce_sum3A_730 = vector.broadcast %reduce_sum3A_729 : i1 to vector<16xi1>
        %reduce_sum3A_731 = tpu.scan <sum>, %select_n3A_728 masked %reduce_sum3A_730 : vector<16xi32>, vector<16xi1> -> vector<16xi32>
        %reduce_sum3A_732 = vector.extract %reduce_sum3A_731[15] : i32 from vector<16xi32>
        %and3A_733 = arith.constant 127 : i32
        %and3A_734 = arith.andi %reduce_sum3A_732, %and3A_733 : i32
        %broadcast_in_dim3A_735 = vector.broadcast %and3A_734 : i32 to vector<16xi32>
        %swap3A_736 = arith.constant 1 : i32
        %swap3A_737 = arith.index_cast %swap3A_736 : i32 to index
        %swap3A_738 = arith.constant 0 : index
        %swap3A_739 = tpu.vector_load %arg14[%swap3A_737, %swap3A_738] {strides = array<i32>} : memref<8x16xi32, #tpu.memory_space<vmem>>, vector<16xi32>,
        tpu.vector_store %arg14[%swap3A_737, %swap3A_738], %broadcast_in_dim3A_735 {strides = array<i32>} : memref<8x16xi32, #tpu.memory_space<vmem>>, vector<16xi32>,
        %shift_right_arithmetic3A_740 = arith.constant 7 : i32
        %shift_right_arithmetic3A_741 = arith.shrsi %reduce_sum3A_732, %shift_right_arithmetic3A_740 : i32
        %shift_left3A_742 = arith.constant 7 : i32
        %shift_left3A_743 = arith.shli %shift_right_arithmetic3A_741, %shift_left3A_742 : i32
        %multiple_of3A_744 = tpu.assume_multiple %shift_left3A_743, 128 : i32
        %dma_start3A_745 = arith.constant 0 : i32
        %dma_start3A_746 = arith.constant 0 : i32
        %dma_start3A_747 = tpu.memref_slice %arg7[%dma_start3A_745, %dma_start3A_746] : memref<64x128xf32, #tpu.memory_space<vmem>> -> memref<32x128xf32, #tpu.memory_space<vmem>>
        %dma_start3A_748 = arith.constant 0 : i32
        %dma_start3A_749 = tpu.memref_slice %arg3[%dma_start3A_748, %multiple_of3A_744] : memref<64x1000000xf32, #tpu.memory_space<hbm>> -> memref<32x128xf32, #tpu.memory_space<hbm>>
        %dma_start3A_750 = arith.constant 0 : i32
        %dma_start3A_751 = arith.constant 0 : i32
        %dma_start3A_752 = tpu.memref_slice %arg7[%dma_start3A_750, %dma_start3A_751] : memref<64x128xf32, #tpu.memory_space<vmem>> -> memref<32x128xf32, #tpu.memory_space<vmem>>
        %dma_start3A_753 = arith.constant 0 : i32
        %dma_start3A_754 = tpu.memref_slice %arg3[%dma_start3A_753, %multiple_of3A_744] : memref<64x1000000xf32, #tpu.memory_space<hbm>> -> memref<32x128xf32, #tpu.memory_space<hbm>>
        tpu.enqueue_dma source(%dma_start3A_754 : memref<32x128xf32, #tpu.memory_space<hbm>>) target(%dma_start3A_752 : memref<32x128xf32, #tpu.memory_space<vmem>>) target_semaphore(%arg17 : memref<!tpu.dma_semaphore, #tpu.memory_space<semaphore_mem>>)
        %dma_start3A_755 = arith.constant 32 : i32
        %dma_start3A_756 = arith.constant 0 : i32
        %dma_start3A_757 = tpu.memref_slice %arg7[%dma_start3A_755, %dma_start3A_756] : memref<64x128xf32, #tpu.memory_space<vmem>> -> memref<32x128xf32, #tpu.memory_space<vmem>>
        %dma_start3A_758 = arith.constant 32 : i32
        %dma_start3A_759 = tpu.memref_slice %arg3[%dma_start3A_758, %multiple_of3A_744] : memref<64x1000000xf32, #tpu.memory_space<hbm>> -> memref<32x128xf32, #tpu.memory_space<hbm>>
        %dma_start3A_760 = arith.constant 32 : i32
        %dma_start3A_761 = arith.constant 0 : i32
        %dma_start3A_762 = tpu.memref_slice %arg7[%dma_start3A_760, %dma_start3A_761] : memref<64x128xf32, #tpu.memory_space<vmem>> -> memref<32x128xf32, #tpu.memory_space<vmem>>
        %dma_start3A_763 = arith.constant 32 : i32
        %dma_start3A_764 = tpu.memref_slice %arg3[%dma_start3A_763, %multiple_of3A_744] : memref<64x1000000xf32, #tpu.memory_space<hbm>> -> memref<32x128xf32, #tpu.memory_space<hbm>>
        tpu.enqueue_dma source(%dma_start3A_764 : memref<32x128xf32, #tpu.memory_space<hbm>>) target(%dma_start3A_762 : memref<32x128xf32, #tpu.memory_space<vmem>>) target_semaphore(%arg17 : memref<!tpu.dma_semaphore, #tpu.memory_space<semaphore_mem>>)
      } else {
      }
      %mul3A_456 = arith.constant 8 : i32
      %mul3A_457 = arith.muli %add3A_376, %mul3A_456 : i32
      %add3A_458 = arith.constant 2 : i32
      %add3A_459 = arith.addi %mul3A_457, %add3A_458 : i32
      %dma_wait3A_460 = arith.constant 0 : i32
      %dma_wait3A_461 = arith.constant 0 : i32
      %dma_wait3A_462 = tpu.memref_slice %arg3[%dma_wait3A_460, %dma_wait3A_461] : memref<64x1000000xf32, #tpu.memory_space<hbm>> -> memref<64x128xf32, #tpu.memory_space<hbm>>
      %dma_wait3A_463 = arith.constant 0 : i32
      %dma_wait3A_464 = arith.constant 0 : i32
      %dma_wait3A_465 = tpu.memref_slice %arg3[%dma_wait3A_463, %dma_wait3A_464] : memref<64x1000000xf32, #tpu.memory_space<hbm>> -> memref<64x128xf32, #tpu.memory_space<hbm>>
      tpu.wait_dma2 semaphore(%arg18 : memref<!tpu.dma_semaphore, #tpu.memory_space<semaphore_mem>>) src(%dma_wait3A_465 : memref<64x128xf32, #tpu.memory_space<hbm>>) dst(%arg8 : memref<64x128xf32, #tpu.memory_space<vmem>>)
      %get3A_466 = arith.constant 2 : i32
      %get3A_467 = arith.index_cast %get3A_466 : i32 to index
      %get3A_468 = arith.constant 0 : index
      %get3A_469 = tpu.vector_load %arg14[%get3A_467, %get3A_468] {strides = array<i32>} : memref<8x16xi32, #tpu.memory_space<vmem>>, vector<16xi32>,
      %broadcast_in_dim3A_470 = vector.broadcast %add3A_459 : i32 to vector<16xi32>
      %iota3A_471 = tpu.iota {dimensions = array<i32: 0>} : vector<16xi32>
      %add3A_472 = arith.constant 0 : i32
      %add3A_473 = vector.broadcast %add3A_472 : i32 to vector<16xi32>
      %add3A_474 = arith.addi %iota3A_471, %add3A_473 : vector<16xi32>
      %gather3A_475 = tpu.vector_load_idx %arg8[%add3A_474, %get3A_469] : memref<64x128xf32, #tpu.memory_space<vmem>>[vector<16xi32>, vector<16xi32>], vector<16xf32>,
      tpu.vector_store_idx %arg15[%add3A_474, %broadcast_in_dim3A_470], %gather3A_475 : memref<64x512xf32, #tpu.memory_space<vmem>>[vector<16xi32>, vector<16xi32>], vector<16xf32>,
      %iota3A_476 = tpu.iota {dimensions = array<i32: 0>} : vector<16xi32>
      %add3A_477 = arith.constant 16 : i32
      %add3A_478 = vector.broadcast %add3A_477 : i32 to vector<16xi32>
      %add3A_479 = arith.addi %iota3A_476, %add3A_478 : vector<16xi32>
      %gather3A_480 = tpu.vector_load_idx %arg8[%add3A_479, %get3A_469] : memref<64x128xf32, #tpu.memory_space<vmem>>[vector<16xi32>, vector<16xi32>], vector<16xf32>,
      tpu.vector_store_idx %arg15[%add3A_479, %broadcast_in_dim3A_470], %gather3A_480 : memref<64x512xf32, #tpu.memory_space<vmem>>[vector<16xi32>, vector<16xi32>], vector<16xf32>,
      %iota3A_481 = tpu.iota {dimensions = array<i32: 0>} : vector<16xi32>
      %add3A_482 = arith.constant 32 : i32
      %add3A_483 = vector.broadcast %add3A_482 : i32 to vector<16xi32>
      %add3A_484 = arith.addi %iota3A_481, %add3A_483 : vector<16xi32>
      %gather3A_485 = tpu.vector_load_idx %arg8[%add3A_484, %get3A_469] : memref<64x128xf32, #tpu.memory_space<vmem>>[vector<16xi32>, vector<16xi32>], vector<16xf32>,
      tpu.vector_store_idx %arg15[%add3A_484, %broadcast_in_dim3A_470], %gather3A_485 : memref<64x512xf32, #tpu.memory_space<vmem>>[vector<16xi32>, vector<16xi32>], vector<16xf32>,
      %iota3A_486 = tpu.iota {dimensions = array<i32: 0>} : vector<16xi32>
      %add3A_487 = arith.constant 48 : i32
      %add3A_488 = vector.broadcast %add3A_487 : i32 to vector<16xi32>
      %add3A_489 = arith.addi %iota3A_486, %add3A_488 : vector<16xi32>
      %gather3A_490 = tpu.vector_load_idx %arg8[%add3A_489, %get3A_469] : memref<64x128xf32, #tpu.memory_space<vmem>>[vector<16xi32>, vector<16xi32>], vector<16xf32>,
      tpu.vector_store_idx %arg15[%add3A_489, %broadcast_in_dim3A_470], %gather3A_490 : memref<64x512xf32, #tpu.memory_space<vmem>>[vector<16xi32>, vector<16xi32>], vector<16xf32>,
      %add3A_491 = arith.constant 8 : i32
      %add3A_492 = arith.addi %add3A_459, %add3A_491 : i32
      %lt3A_493 = arith.constant 512 : i32
      %lt3A_494 = arith.cmpi slt, %add3A_492, %lt3A_493 : i32
      %convert_element_type3A_495 = arith.extui %lt3A_494 : i1 to i32
      %cond3A_496 = arith.constant 0 : i32
      %cond3A_497 = arith.cmpi ne, %convert_element_type3A_495, %cond3A_496 : i32
      scf.if %cond3A_497 {
        %add3A_708 = arith.constant 8 : i32
        %add3A_709 = arith.addi %add3A_459, %add3A_708 : i32
        %shift_right_arithmetic3A_710 = arith.constant 7 : i32
        %shift_right_arithmetic3A_711 = arith.shrsi %add3A_709, %shift_right_arithmetic3A_710 : i32
        %shift_right_arithmetic3A_712 = arith.constant 4 : i32
        %shift_right_arithmetic3A_713 = arith.shrsi %add3A_709, %shift_right_arithmetic3A_712 : i32
        %and3A_714 = arith.constant 7 : i32
        %and3A_715 = arith.andi %shift_right_arithmetic3A_713, %and3A_714 : i32
        %mul3A_716 = arith.constant 16 : i32
        %mul3A_717 = arith.muli %and3A_715, %mul3A_716 : i32
        %get3A_718 = arith.index_cast %shift_right_arithmetic3A_711 : i32 to index
        %get3A_719 = arith.index_cast %mul3A_717 : i32 to index
        %get3A_720 = tpu.vector_load %arg5[%get3A_718, %get3A_719] {strides = array<i32>} : memref<4x128xi32, #tpu.memory_space<vmem>>, vector<16xi32>,
        %iota3A_721 = tpu.iota {dimensions = array<i32: 0>} : vector<16xi32>
        %and3A_722 = arith.constant 15 : i32
        %and3A_723 = arith.andi %add3A_709, %and3A_722 : i32
        %eq3A_724 = vector.broadcast %and3A_723 : i32 to vector<16xi32>
        %eq3A_725 = arith.cmpi eq, %iota3A_721, %eq3A_724 : vector<16xi32>
        %jit3A_726 = arith.constant 0 : i32
        %broadcast_in_dim3A_727 = vector.broadcast %jit3A_726 : i32 to vector<16xi32>
        %select_n3A_728 = arith.select %eq3A_725, %get3A_720, %broadcast_in_dim3A_727 : vector<16xi1>, vector<16xi32>
        %reduce_sum3A_729 = arith.constant true
        %reduce_sum3A_730 = vector.broadcast %reduce_sum3A_729 : i1 to vector<16xi1>
        %reduce_sum3A_731 = tpu.scan <sum>, %select_n3A_728 masked %reduce_sum3A_730 : vector<16xi32>, vector<16xi1> -> vector<16xi32>
        %reduce_sum3A_732 = vector.extract %reduce_sum3A_731[15] : i32 from vector<16xi32>
        %and3A_733 = arith.constant 127 : i32
        %and3A_734 = arith.andi %reduce_sum3A_732, %and3A_733 : i32
        %broadcast_in_dim3A_735 = vector.broadcast %and3A_734 : i32 to vector<16xi32>
        %swap3A_736 = arith.constant 2 : i32
        %swap3A_737 = arith.index_cast %swap3A_736 : i32 to index
        %swap3A_738 = arith.constant 0 : index
        %swap3A_739 = tpu.vector_load %arg14[%swap3A_737, %swap3A_738] {strides = array<i32>} : memref<8x16xi32, #tpu.memory_space<vmem>>, vector<16xi32>,
        tpu.vector_store %arg14[%swap3A_737, %swap3A_738], %broadcast_in_dim3A_735 {strides = array<i32>} : memref<8x16xi32, #tpu.memory_space<vmem>>, vector<16xi32>,
        %shift_right_arithmetic3A_740 = arith.constant 7 : i32
        %shift_right_arithmetic3A_741 = arith.shrsi %reduce_sum3A_732, %shift_right_arithmetic3A_740 : i32
        %shift_left3A_742 = arith.constant 7 : i32
        %shift_left3A_743 = arith.shli %shift_right_arithmetic3A_741, %shift_left3A_742 : i32
        %multiple_of3A_744 = tpu.assume_multiple %shift_left3A_743, 128 : i32
        %dma_start3A_745 = arith.constant 0 : i32
        %dma_start3A_746 = arith.constant 0 : i32
        %dma_start3A_747 = tpu.memref_slice %arg8[%dma_start3A_745, %dma_start3A_746] : memref<64x128xf32, #tpu.memory_space<vmem>> -> memref<32x128xf32, #tpu.memory_space<vmem>>
        %dma_start3A_748 = arith.constant 0 : i32
        %dma_start3A_749 = tpu.memref_slice %arg3[%dma_start3A_748, %multiple_of3A_744] : memref<64x1000000xf32, #tpu.memory_space<hbm>> -> memref<32x128xf32, #tpu.memory_space<hbm>>
        %dma_start3A_750 = arith.constant 0 : i32
        %dma_start3A_751 = arith.constant 0 : i32
        %dma_start3A_752 = tpu.memref_slice %arg8[%dma_start3A_750, %dma_start3A_751] : memref<64x128xf32, #tpu.memory_space<vmem>> -> memref<32x128xf32, #tpu.memory_space<vmem>>
        %dma_start3A_753 = arith.constant 0 : i32
        %dma_start3A_754 = tpu.memref_slice %arg3[%dma_start3A_753, %multiple_of3A_744] : memref<64x1000000xf32, #tpu.memory_space<hbm>> -> memref<32x128xf32, #tpu.memory_space<hbm>>
        tpu.enqueue_dma source(%dma_start3A_754 : memref<32x128xf32, #tpu.memory_space<hbm>>) target(%dma_start3A_752 : memref<32x128xf32, #tpu.memory_space<vmem>>) target_semaphore(%arg18 : memref<!tpu.dma_semaphore, #tpu.memory_space<semaphore_mem>>)
        %dma_start3A_755 = arith.constant 32 : i32
        %dma_start3A_756 = arith.constant 0 : i32
        %dma_start3A_757 = tpu.memref_slice %arg8[%dma_start3A_755, %dma_start3A_756] : memref<64x128xf32, #tpu.memory_space<vmem>> -> memref<32x128xf32, #tpu.memory_space<vmem>>
        %dma_start3A_758 = arith.constant 32 : i32
        %dma_start3A_759 = tpu.memref_slice %arg3[%dma_start3A_758, %multiple_of3A_744] : memref<64x1000000xf32, #tpu.memory_space<hbm>> -> memref<32x128xf32, #tpu.memory_space<hbm>>
        %dma_start3A_760 = arith.constant 32 : i32
        %dma_start3A_761 = arith.constant 0 : i32
        %dma_start3A_762 = tpu.memref_slice %arg8[%dma_start3A_760, %dma_start3A_761] : memref<64x128xf32, #tpu.memory_space<vmem>> -> memref<32x128xf32, #tpu.memory_space<vmem>>
        %dma_start3A_763 = arith.constant 32 : i32
        %dma_start3A_764 = tpu.memref_slice %arg3[%dma_start3A_763, %multiple_of3A_744] : memref<64x1000000xf32, #tpu.memory_space<hbm>> -> memref<32x128xf32, #tpu.memory_space<hbm>>
        tpu.enqueue_dma source(%dma_start3A_764 : memref<32x128xf32, #tpu.memory_space<hbm>>) target(%dma_start3A_762 : memref<32x128xf32, #tpu.memory_space<vmem>>) target_semaphore(%arg18 : memref<!tpu.dma_semaphore, #tpu.memory_space<semaphore_mem>>)
      } else {
      }
      %mul3A_498 = arith.constant 8 : i32
      %mul3A_499 = arith.muli %add3A_376, %mul3A_498 : i32
      %add3A_500 = arith.constant 3 : i32
      %add3A_501 = arith.addi %mul3A_499, %add3A_500 : i32
      %dma_wait3A_502 = arith.constant 0 : i32
      %dma_wait3A_503 = arith.constant 0 : i32
      %dma_wait3A_504 = tpu.memref_slice %arg3[%dma_wait3A_502, %dma_wait3A_503] : memref<64x1000000xf32, #tpu.memory_space<hbm>> -> memref<64x128xf32, #tpu.memory_space<hbm>>
      %dma_wait3A_505 = arith.constant 0 : i32
      %dma_wait3A_506 = arith.constant 0 : i32
      %dma_wait3A_507 = tpu.memref_slice %arg3[%dma_wait3A_505, %dma_wait3A_506] : memref<64x1000000xf32, #tpu.memory_space<hbm>> -> memref<64x128xf32, #tpu.memory_space<hbm>>
      tpu.wait_dma2 semaphore(%arg19 : memref<!tpu.dma_semaphore, #tpu.memory_space<semaphore_mem>>) src(%dma_wait3A_507 : memref<64x128xf32, #tpu.memory_space<hbm>>) dst(%arg9 : memref<64x128xf32, #tpu.memory_space<vmem>>)
      %get3A_508 = arith.constant 3 : i32
      %get3A_509 = arith.index_cast %get3A_508 : i32 to index
      %get3A_510 = arith.constant 0 : index
      %get3A_511 = tpu.vector_load %arg14[%get3A_509, %get3A_510] {strides = array<i32>} : memref<8x16xi32, #tpu.memory_space<vmem>>, vector<16xi32>,
      %broadcast_in_dim3A_512 = vector.broadcast %add3A_501 : i32 to vector<16xi32>
      %iota3A_513 = tpu.iota {dimensions = array<i32: 0>} : vector<16xi32>
      %add3A_514 = arith.constant 0 : i32
      %add3A_515 = vector.broadcast %add3A_514 : i32 to vector<16xi32>
      %add3A_516 = arith.addi %iota3A_513, %add3A_515 : vector<16xi32>
      %gather3A_517 = tpu.vector_load_idx %arg9[%add3A_516, %get3A_511] : memref<64x128xf32, #tpu.memory_space<vmem>>[vector<16xi32>, vector<16xi32>], vector<16xf32>,
      tpu.vector_store_idx %arg15[%add3A_516, %broadcast_in_dim3A_512], %gather3A_517 : memref<64x512xf32, #tpu.memory_space<vmem>>[vector<16xi32>, vector<16xi32>], vector<16xf32>,
      %iota3A_518 = tpu.iota {dimensions = array<i32: 0>} : vector<16xi32>
      %add3A_519 = arith.constant 16 : i32
      %add3A_520 = vector.broadcast %add3A_519 : i32 to vector<16xi32>
      %add3A_521 = arith.addi %iota3A_518, %add3A_520 : vector<16xi32>
      %gather3A_522 = tpu.vector_load_idx %arg9[%add3A_521, %get3A_511] : memref<64x128xf32, #tpu.memory_space<vmem>>[vector<16xi32>, vector<16xi32>], vector<16xf32>,
      tpu.vector_store_idx %arg15[%add3A_521, %broadcast_in_dim3A_512], %gather3A_522 : memref<64x512xf32, #tpu.memory_space<vmem>>[vector<16xi32>, vector<16xi32>], vector<16xf32>,
      %iota3A_523 = tpu.iota {dimensions = array<i32: 0>} : vector<16xi32>
      %add3A_524 = arith.constant 32 : i32
      %add3A_525 = vector.broadcast %add3A_524 : i32 to vector<16xi32>
      %add3A_526 = arith.addi %iota3A_523, %add3A_525 : vector<16xi32>
      %gather3A_527 = tpu.vector_load_idx %arg9[%add3A_526, %get3A_511] : memref<64x128xf32, #tpu.memory_space<vmem>>[vector<16xi32>, vector<16xi32>], vector<16xf32>,
      tpu.vector_store_idx %arg15[%add3A_526, %broadcast_in_dim3A_512], %gather3A_527 : memref<64x512xf32, #tpu.memory_space<vmem>>[vector<16xi32>, vector<16xi32>], vector<16xf32>,
      %iota3A_528 = tpu.iota {dimensions = array<i32: 0>} : vector<16xi32>
      %add3A_529 = arith.constant 48 : i32
      %add3A_530 = vector.broadcast %add3A_529 : i32 to vector<16xi32>
      %add3A_531 = arith.addi %iota3A_528, %add3A_530 : vector<16xi32>
      %gather3A_532 = tpu.vector_load_idx %arg9[%add3A_531, %get3A_511] : memref<64x128xf32, #tpu.memory_space<vmem>>[vector<16xi32>, vector<16xi32>], vector<16xf32>,
      tpu.vector_store_idx %arg15[%add3A_531, %broadcast_in_dim3A_512], %gather3A_532 : memref<64x512xf32, #tpu.memory_space<vmem>>[vector<16xi32>, vector<16xi32>], vector<16xf32>,
      %add3A_533 = arith.constant 8 : i32
      %add3A_534 = arith.addi %add3A_501, %add3A_533 : i32
      %lt3A_535 = arith.constant 512 : i32
      %lt3A_536 = arith.cmpi slt, %add3A_534, %lt3A_535 : i32
      %convert_element_type3A_537 = arith.extui %lt3A_536 : i1 to i32
      %cond3A_538 = arith.constant 0 : i32
      %cond3A_539 = arith.cmpi ne, %convert_element_type3A_537, %cond3A_538 : i32
      scf.if %cond3A_539 {
        %add3A_708 = arith.constant 8 : i32
        %add3A_709 = arith.addi %add3A_501, %add3A_708 : i32
        %shift_right_arithmetic3A_710 = arith.constant 7 : i32
        %shift_right_arithmetic3A_711 = arith.shrsi %add3A_709, %shift_right_arithmetic3A_710 : i32
        %shift_right_arithmetic3A_712 = arith.constant 4 : i32
        %shift_right_arithmetic3A_713 = arith.shrsi %add3A_709, %shift_right_arithmetic3A_712 : i32
        %and3A_714 = arith.constant 7 : i32
        %and3A_715 = arith.andi %shift_right_arithmetic3A_713, %and3A_714 : i32
        %mul3A_716 = arith.constant 16 : i32
        %mul3A_717 = arith.muli %and3A_715, %mul3A_716 : i32
        %get3A_718 = arith.index_cast %shift_right_arithmetic3A_711 : i32 to index
        %get3A_719 = arith.index_cast %mul3A_717 : i32 to index
        %get3A_720 = tpu.vector_load %arg5[%get3A_718, %get3A_719] {strides = array<i32>} : memref<4x128xi32, #tpu.memory_space<vmem>>, vector<16xi32>,
        %iota3A_721 = tpu.iota {dimensions = array<i32: 0>} : vector<16xi32>
        %and3A_722 = arith.constant 15 : i32
        %and3A_723 = arith.andi %add3A_709, %and3A_722 : i32
        %eq3A_724 = vector.broadcast %and3A_723 : i32 to vector<16xi32>
        %eq3A_725 = arith.cmpi eq, %iota3A_721, %eq3A_724 : vector<16xi32>
        %jit3A_726 = arith.constant 0 : i32
        %broadcast_in_dim3A_727 = vector.broadcast %jit3A_726 : i32 to vector<16xi32>
        %select_n3A_728 = arith.select %eq3A_725, %get3A_720, %broadcast_in_dim3A_727 : vector<16xi1>, vector<16xi32>
        %reduce_sum3A_729 = arith.constant true
        %reduce_sum3A_730 = vector.broadcast %reduce_sum3A_729 : i1 to vector<16xi1>
        %reduce_sum3A_731 = tpu.scan <sum>, %select_n3A_728 masked %reduce_sum3A_730 : vector<16xi32>, vector<16xi1> -> vector<16xi32>
        %reduce_sum3A_732 = vector.extract %reduce_sum3A_731[15] : i32 from vector<16xi32>
        %and3A_733 = arith.constant 127 : i32
        %and3A_734 = arith.andi %reduce_sum3A_732, %and3A_733 : i32
        %broadcast_in_dim3A_735 = vector.broadcast %and3A_734 : i32 to vector<16xi32>
        %swap3A_736 = arith.constant 3 : i32
        %swap3A_737 = arith.index_cast %swap3A_736 : i32 to index
        %swap3A_738 = arith.constant 0 : index
        %swap3A_739 = tpu.vector_load %arg14[%swap3A_737, %swap3A_738] {strides = array<i32>} : memref<8x16xi32, #tpu.memory_space<vmem>>, vector<16xi32>,
        tpu.vector_store %arg14[%swap3A_737, %swap3A_738], %broadcast_in_dim3A_735 {strides = array<i32>} : memref<8x16xi32, #tpu.memory_space<vmem>>, vector<16xi32>,
        %shift_right_arithmetic3A_740 = arith.constant 7 : i32
        %shift_right_arithmetic3A_741 = arith.shrsi %reduce_sum3A_732, %shift_right_arithmetic3A_740 : i32
        %shift_left3A_742 = arith.constant 7 : i32
        %shift_left3A_743 = arith.shli %shift_right_arithmetic3A_741, %shift_left3A_742 : i32
        %multiple_of3A_744 = tpu.assume_multiple %shift_left3A_743, 128 : i32
        %dma_start3A_745 = arith.constant 0 : i32
        %dma_start3A_746 = arith.constant 0 : i32
        %dma_start3A_747 = tpu.memref_slice %arg9[%dma_start3A_745, %dma_start3A_746] : memref<64x128xf32, #tpu.memory_space<vmem>> -> memref<32x128xf32, #tpu.memory_space<vmem>>
        %dma_start3A_748 = arith.constant 0 : i32
        %dma_start3A_749 = tpu.memref_slice %arg3[%dma_start3A_748, %multiple_of3A_744] : memref<64x1000000xf32, #tpu.memory_space<hbm>> -> memref<32x128xf32, #tpu.memory_space<hbm>>
        %dma_start3A_750 = arith.constant 0 : i32
        %dma_start3A_751 = arith.constant 0 : i32
        %dma_start3A_752 = tpu.memref_slice %arg9[%dma_start3A_750, %dma_start3A_751] : memref<64x128xf32, #tpu.memory_space<vmem>> -> memref<32x128xf32, #tpu.memory_space<vmem>>
        %dma_start3A_753 = arith.constant 0 : i32
        %dma_start3A_754 = tpu.memref_slice %arg3[%dma_start3A_753, %multiple_of3A_744] : memref<64x1000000xf32, #tpu.memory_space<hbm>> -> memref<32x128xf32, #tpu.memory_space<hbm>>
        tpu.enqueue_dma source(%dma_start3A_754 : memref<32x128xf32, #tpu.memory_space<hbm>>) target(%dma_start3A_752 : memref<32x128xf32, #tpu.memory_space<vmem>>) target_semaphore(%arg19 : memref<!tpu.dma_semaphore, #tpu.memory_space<semaphore_mem>>)
        %dma_start3A_755 = arith.constant 32 : i32
        %dma_start3A_756 = arith.constant 0 : i32
        %dma_start3A_757 = tpu.memref_slice %arg9[%dma_start3A_755, %dma_start3A_756] : memref<64x128xf32, #tpu.memory_space<vmem>> -> memref<32x128xf32, #tpu.memory_space<vmem>>
        %dma_start3A_758 = arith.constant 32 : i32
        %dma_start3A_759 = tpu.memref_slice %arg3[%dma_start3A_758, %multiple_of3A_744] : memref<64x1000000xf32, #tpu.memory_space<hbm>> -> memref<32x128xf32, #tpu.memory_space<hbm>>
        %dma_start3A_760 = arith.constant 32 : i32
        %dma_start3A_761 = arith.constant 0 : i32
        %dma_start3A_762 = tpu.memref_slice %arg9[%dma_start3A_760, %dma_start3A_761] : memref<64x128xf32, #tpu.memory_space<vmem>> -> memref<32x128xf32, #tpu.memory_space<vmem>>
        %dma_start3A_763 = arith.constant 32 : i32
        %dma_start3A_764 = tpu.memref_slice %arg3[%dma_start3A_763, %multiple_of3A_744] : memref<64x1000000xf32, #tpu.memory_space<hbm>> -> memref<32x128xf32, #tpu.memory_space<hbm>>
        tpu.enqueue_dma source(%dma_start3A_764 : memref<32x128xf32, #tpu.memory_space<hbm>>) target(%dma_start3A_762 : memref<32x128xf32, #tpu.memory_space<vmem>>) target_semaphore(%arg19 : memref<!tpu.dma_semaphore, #tpu.memory_space<semaphore_mem>>)
      } else {
      }
      %mul3A_540 = arith.constant 8 : i32
      %mul3A_541 = arith.muli %add3A_376, %mul3A_540 : i32
      %add3A_542 = arith.constant 4 : i32
      %add3A_543 = arith.addi %mul3A_541, %add3A_542 : i32
      %dma_wait3A_544 = arith.constant 0 : i32
      %dma_wait3A_545 = arith.constant 0 : i32
      %dma_wait3A_546 = tpu.memref_slice %arg3[%dma_wait3A_544, %dma_wait3A_545] : memref<64x1000000xf32, #tpu.memory_space<hbm>> -> memref<64x128xf32, #tpu.memory_space<hbm>>
      %dma_wait3A_547 = arith.constant 0 : i32
      %dma_wait3A_548 = arith.constant 0 : i32
      %dma_wait3A_549 = tpu.memref_slice %arg3[%dma_wait3A_547, %dma_wait3A_548] : memref<64x1000000xf32, #tpu.memory_space<hbm>> -> memref<64x128xf32, #tpu.memory_space<hbm>>
      tpu.wait_dma2 semaphore(%arg20 : memref<!tpu.dma_semaphore, #tpu.memory_space<semaphore_mem>>) src(%dma_wait3A_549 : memref<64x128xf32, #tpu.memory_space<hbm>>) dst(%arg10 : memref<64x128xf32, #tpu.memory_space<vmem>>)
      %get3A_550 = arith.constant 4 : i32
      %get3A_551 = arith.index_cast %get3A_550 : i32 to index
      %get3A_552 = arith.constant 0 : index
      %get3A_553 = tpu.vector_load %arg14[%get3A_551, %get3A_552] {strides = array<i32>} : memref<8x16xi32, #tpu.memory_space<vmem>>, vector<16xi32>,
      %broadcast_in_dim3A_554 = vector.broadcast %add3A_543 : i32 to vector<16xi32>
      %iota3A_555 = tpu.iota {dimensions = array<i32: 0>} : vector<16xi32>
      %add3A_556 = arith.constant 0 : i32
      %add3A_557 = vector.broadcast %add3A_556 : i32 to vector<16xi32>
      %add3A_558 = arith.addi %iota3A_555, %add3A_557 : vector<16xi32>
      %gather3A_559 = tpu.vector_load_idx %arg10[%add3A_558, %get3A_553] : memref<64x128xf32, #tpu.memory_space<vmem>>[vector<16xi32>, vector<16xi32>], vector<16xf32>,
      tpu.vector_store_idx %arg15[%add3A_558, %broadcast_in_dim3A_554], %gather3A_559 : memref<64x512xf32, #tpu.memory_space<vmem>>[vector<16xi32>, vector<16xi32>], vector<16xf32>,
      %iota3A_560 = tpu.iota {dimensions = array<i32: 0>} : vector<16xi32>
      %add3A_561 = arith.constant 16 : i32
      %add3A_562 = vector.broadcast %add3A_561 : i32 to vector<16xi32>
      %add3A_563 = arith.addi %iota3A_560, %add3A_562 : vector<16xi32>
      %gather3A_564 = tpu.vector_load_idx %arg10[%add3A_563, %get3A_553] : memref<64x128xf32, #tpu.memory_space<vmem>>[vector<16xi32>, vector<16xi32>], vector<16xf32>,
      tpu.vector_store_idx %arg15[%add3A_563, %broadcast_in_dim3A_554], %gather3A_564 : memref<64x512xf32, #tpu.memory_space<vmem>>[vector<16xi32>, vector<16xi32>], vector<16xf32>,
      %iota3A_565 = tpu.iota {dimensions = array<i32: 0>} : vector<16xi32>
      %add3A_566 = arith.constant 32 : i32
      %add3A_567 = vector.broadcast %add3A_566 : i32 to vector<16xi32>
      %add3A_568 = arith.addi %iota3A_565, %add3A_567 : vector<16xi32>
      %gather3A_569 = tpu.vector_load_idx %arg10[%add3A_568, %get3A_553] : memref<64x128xf32, #tpu.memory_space<vmem>>[vector<16xi32>, vector<16xi32>], vector<16xf32>,
      tpu.vector_store_idx %arg15[%add3A_568, %broadcast_in_dim3A_554], %gather3A_569 : memref<64x512xf32, #tpu.memory_space<vmem>>[vector<16xi32>, vector<16xi32>], vector<16xf32>,
      %iota3A_570 = tpu.iota {dimensions = array<i32: 0>} : vector<16xi32>
      %add3A_571 = arith.constant 48 : i32
      %add3A_572 = vector.broadcast %add3A_571 : i32 to vector<16xi32>
      %add3A_573 = arith.addi %iota3A_570, %add3A_572 : vector<16xi32>
      %gather3A_574 = tpu.vector_load_idx %arg10[%add3A_573, %get3A_553] : memref<64x128xf32, #tpu.memory_space<vmem>>[vector<16xi32>, vector<16xi32>], vector<16xf32>,
      tpu.vector_store_idx %arg15[%add3A_573, %broadcast_in_dim3A_554], %gather3A_574 : memref<64x512xf32, #tpu.memory_space<vmem>>[vector<16xi32>, vector<16xi32>], vector<16xf32>,
      %add3A_575 = arith.constant 8 : i32
      %add3A_576 = arith.addi %add3A_543, %add3A_575 : i32
      %lt3A_577 = arith.constant 512 : i32
      %lt3A_578 = arith.cmpi slt, %add3A_576, %lt3A_577 : i32
      %convert_element_type3A_579 = arith.extui %lt3A_578 : i1 to i32
      %cond3A_580 = arith.constant 0 : i32
      %cond3A_581 = arith.cmpi ne, %convert_element_type3A_579, %cond3A_580 : i32
      scf.if %cond3A_581 {
        %add3A_708 = arith.constant 8 : i32
        %add3A_709 = arith.addi %add3A_543, %add3A_708 : i32
        %shift_right_arithmetic3A_710 = arith.constant 7 : i32
        %shift_right_arithmetic3A_711 = arith.shrsi %add3A_709, %shift_right_arithmetic3A_710 : i32
        %shift_right_arithmetic3A_712 = arith.constant 4 : i32
        %shift_right_arithmetic3A_713 = arith.shrsi %add3A_709, %shift_right_arithmetic3A_712 : i32
        %and3A_714 = arith.constant 7 : i32
        %and3A_715 = arith.andi %shift_right_arithmetic3A_713, %and3A_714 : i32
        %mul3A_716 = arith.constant 16 : i32
        %mul3A_717 = arith.muli %and3A_715, %mul3A_716 : i32
        %get3A_718 = arith.index_cast %shift_right_arithmetic3A_711 : i32 to index
        %get3A_719 = arith.index_cast %mul3A_717 : i32 to index
        %get3A_720 = tpu.vector_load %arg5[%get3A_718, %get3A_719] {strides = array<i32>} : memref<4x128xi32, #tpu.memory_space<vmem>>, vector<16xi32>,
        %iota3A_721 = tpu.iota {dimensions = array<i32: 0>} : vector<16xi32>
        %and3A_722 = arith.constant 15 : i32
        %and3A_723 = arith.andi %add3A_709, %and3A_722 : i32
        %eq3A_724 = vector.broadcast %and3A_723 : i32 to vector<16xi32>
        %eq3A_725 = arith.cmpi eq, %iota3A_721, %eq3A_724 : vector<16xi32>
        %jit3A_726 = arith.constant 0 : i32
        %broadcast_in_dim3A_727 = vector.broadcast %jit3A_726 : i32 to vector<16xi32>
        %select_n3A_728 = arith.select %eq3A_725, %get3A_720, %broadcast_in_dim3A_727 : vector<16xi1>, vector<16xi32>
        %reduce_sum3A_729 = arith.constant true
        %reduce_sum3A_730 = vector.broadcast %reduce_sum3A_729 : i1 to vector<16xi1>
        %reduce_sum3A_731 = tpu.scan <sum>, %select_n3A_728 masked %reduce_sum3A_730 : vector<16xi32>, vector<16xi1> -> vector<16xi32>
        %reduce_sum3A_732 = vector.extract %reduce_sum3A_731[15] : i32 from vector<16xi32>
        %and3A_733 = arith.constant 127 : i32
        %and3A_734 = arith.andi %reduce_sum3A_732, %and3A_733 : i32
        %broadcast_in_dim3A_735 = vector.broadcast %and3A_734 : i32 to vector<16xi32>
        %swap3A_736 = arith.constant 4 : i32
        %swap3A_737 = arith.index_cast %swap3A_736 : i32 to index
        %swap3A_738 = arith.constant 0 : index
        %swap3A_739 = tpu.vector_load %arg14[%swap3A_737, %swap3A_738] {strides = array<i32>} : memref<8x16xi32, #tpu.memory_space<vmem>>, vector<16xi32>,
        tpu.vector_store %arg14[%swap3A_737, %swap3A_738], %broadcast_in_dim3A_735 {strides = array<i32>} : memref<8x16xi32, #tpu.memory_space<vmem>>, vector<16xi32>,
        %shift_right_arithmetic3A_740 = arith.constant 7 : i32
        %shift_right_arithmetic3A_741 = arith.shrsi %reduce_sum3A_732, %shift_right_arithmetic3A_740 : i32
        %shift_left3A_742 = arith.constant 7 : i32
        %shift_left3A_743 = arith.shli %shift_right_arithmetic3A_741, %shift_left3A_742 : i32
        %multiple_of3A_744 = tpu.assume_multiple %shift_left3A_743, 128 : i32
        %dma_start3A_745 = arith.constant 0 : i32
        %dma_start3A_746 = arith.constant 0 : i32
        %dma_start3A_747 = tpu.memref_slice %arg10[%dma_start3A_745, %dma_start3A_746] : memref<64x128xf32, #tpu.memory_space<vmem>> -> memref<32x128xf32, #tpu.memory_space<vmem>>
        %dma_start3A_748 = arith.constant 0 : i32
        %dma_start3A_749 = tpu.memref_slice %arg3[%dma_start3A_748, %multiple_of3A_744] : memref<64x1000000xf32, #tpu.memory_space<hbm>> -> memref<32x128xf32, #tpu.memory_space<hbm>>
        %dma_start3A_750 = arith.constant 0 : i32
        %dma_start3A_751 = arith.constant 0 : i32
        %dma_start3A_752 = tpu.memref_slice %arg10[%dma_start3A_750, %dma_start3A_751] : memref<64x128xf32, #tpu.memory_space<vmem>> -> memref<32x128xf32, #tpu.memory_space<vmem>>
        %dma_start3A_753 = arith.constant 0 : i32
        %dma_start3A_754 = tpu.memref_slice %arg3[%dma_start3A_753, %multiple_of3A_744] : memref<64x1000000xf32, #tpu.memory_space<hbm>> -> memref<32x128xf32, #tpu.memory_space<hbm>>
        tpu.enqueue_dma source(%dma_start3A_754 : memref<32x128xf32, #tpu.memory_space<hbm>>) target(%dma_start3A_752 : memref<32x128xf32, #tpu.memory_space<vmem>>) target_semaphore(%arg20 : memref<!tpu.dma_semaphore, #tpu.memory_space<semaphore_mem>>)
        %dma_start3A_755 = arith.constant 32 : i32
        %dma_start3A_756 = arith.constant 0 : i32
        %dma_start3A_757 = tpu.memref_slice %arg10[%dma_start3A_755, %dma_start3A_756] : memref<64x128xf32, #tpu.memory_space<vmem>> -> memref<32x128xf32, #tpu.memory_space<vmem>>
        %dma_start3A_758 = arith.constant 32 : i32
        %dma_start3A_759 = tpu.memref_slice %arg3[%dma_start3A_758, %multiple_of3A_744] : memref<64x1000000xf32, #tpu.memory_space<hbm>> -> memref<32x128xf32, #tpu.memory_space<hbm>>
        %dma_start3A_760 = arith.constant 32 : i32
        %dma_start3A_761 = arith.constant 0 : i32
        %dma_start3A_762 = tpu.memref_slice %arg10[%dma_start3A_760, %dma_start3A_761] : memref<64x128xf32, #tpu.memory_space<vmem>> -> memref<32x128xf32, #tpu.memory_space<vmem>>
        %dma_start3A_763 = arith.constant 32 : i32
        %dma_start3A_764 = tpu.memref_slice %arg3[%dma_start3A_763, %multiple_of3A_744] : memref<64x1000000xf32, #tpu.memory_space<hbm>> -> memref<32x128xf32, #tpu.memory_space<hbm>>
        tpu.enqueue_dma source(%dma_start3A_764 : memref<32x128xf32, #tpu.memory_space<hbm>>) target(%dma_start3A_762 : memref<32x128xf32, #tpu.memory_space<vmem>>) target_semaphore(%arg20 : memref<!tpu.dma_semaphore, #tpu.memory_space<semaphore_mem>>)
      } else {
      }
      %mul3A_582 = arith.constant 8 : i32
      %mul3A_583 = arith.muli %add3A_376, %mul3A_582 : i32
      %add3A_584 = arith.constant 5 : i32
      %add3A_585 = arith.addi %mul3A_583, %add3A_584 : i32
      %dma_wait3A_586 = arith.constant 0 : i32
      %dma_wait3A_587 = arith.constant 0 : i32
      %dma_wait3A_588 = tpu.memref_slice %arg3[%dma_wait3A_586, %dma_wait3A_587] : memref<64x1000000xf32, #tpu.memory_space<hbm>> -> memref<64x128xf32, #tpu.memory_space<hbm>>
      %dma_wait3A_589 = arith.constant 0 : i32
      %dma_wait3A_590 = arith.constant 0 : i32
      %dma_wait3A_591 = tpu.memref_slice %arg3[%dma_wait3A_589, %dma_wait3A_590] : memref<64x1000000xf32, #tpu.memory_space<hbm>> -> memref<64x128xf32, #tpu.memory_space<hbm>>
      tpu.wait_dma2 semaphore(%arg21 : memref<!tpu.dma_semaphore, #tpu.memory_space<semaphore_mem>>) src(%dma_wait3A_591 : memref<64x128xf32, #tpu.memory_space<hbm>>) dst(%arg11 : memref<64x128xf32, #tpu.memory_space<vmem>>)
      %get3A_592 = arith.constant 5 : i32
      %get3A_593 = arith.index_cast %get3A_592 : i32 to index
      %get3A_594 = arith.constant 0 : index
      %get3A_595 = tpu.vector_load %arg14[%get3A_593, %get3A_594] {strides = array<i32>} : memref<8x16xi32, #tpu.memory_space<vmem>>, vector<16xi32>,
      %broadcast_in_dim3A_596 = vector.broadcast %add3A_585 : i32 to vector<16xi32>
      %iota3A_597 = tpu.iota {dimensions = array<i32: 0>} : vector<16xi32>
      %add3A_598 = arith.constant 0 : i32
      %add3A_599 = vector.broadcast %add3A_598 : i32 to vector<16xi32>
      %add3A_600 = arith.addi %iota3A_597, %add3A_599 : vector<16xi32>
      %gather3A_601 = tpu.vector_load_idx %arg11[%add3A_600, %get3A_595] : memref<64x128xf32, #tpu.memory_space<vmem>>[vector<16xi32>, vector<16xi32>], vector<16xf32>,
      tpu.vector_store_idx %arg15[%add3A_600, %broadcast_in_dim3A_596], %gather3A_601 : memref<64x512xf32, #tpu.memory_space<vmem>>[vector<16xi32>, vector<16xi32>], vector<16xf32>,
      %iota3A_602 = tpu.iota {dimensions = array<i32: 0>} : vector<16xi32>
      %add3A_603 = arith.constant 16 : i32
      %add3A_604 = vector.broadcast %add3A_603 : i32 to vector<16xi32>
      %add3A_605 = arith.addi %iota3A_602, %add3A_604 : vector<16xi32>
      %gather3A_606 = tpu.vector_load_idx %arg11[%add3A_605, %get3A_595] : memref<64x128xf32, #tpu.memory_space<vmem>>[vector<16xi32>, vector<16xi32>], vector<16xf32>,
      tpu.vector_store_idx %arg15[%add3A_605, %broadcast_in_dim3A_596], %gather3A_606 : memref<64x512xf32, #tpu.memory_space<vmem>>[vector<16xi32>, vector<16xi32>], vector<16xf32>,
      %iota3A_607 = tpu.iota {dimensions = array<i32: 0>} : vector<16xi32>
      %add3A_608 = arith.constant 32 : i32
      %add3A_609 = vector.broadcast %add3A_608 : i32 to vector<16xi32>
      %add3A_610 = arith.addi %iota3A_607, %add3A_609 : vector<16xi32>
      %gather3A_611 = tpu.vector_load_idx %arg11[%add3A_610, %get3A_595] : memref<64x128xf32, #tpu.memory_space<vmem>>[vector<16xi32>, vector<16xi32>], vector<16xf32>,
      tpu.vector_store_idx %arg15[%add3A_610, %broadcast_in_dim3A_596], %gather3A_611 : memref<64x512xf32, #tpu.memory_space<vmem>>[vector<16xi32>, vector<16xi32>], vector<16xf32>,
      %iota3A_612 = tpu.iota {dimensions = array<i32: 0>} : vector<16xi32>
      %add3A_613 = arith.constant 48 : i32
      %add3A_614 = vector.broadcast %add3A_613 : i32 to vector<16xi32>
      %add3A_615 = arith.addi %iota3A_612, %add3A_614 : vector<16xi32>
      %gather3A_616 = tpu.vector_load_idx %arg11[%add3A_615, %get3A_595] : memref<64x128xf32, #tpu.memory_space<vmem>>[vector<16xi32>, vector<16xi32>], vector<16xf32>,
      tpu.vector_store_idx %arg15[%add3A_615, %broadcast_in_dim3A_596], %gather3A_616 : memref<64x512xf32, #tpu.memory_space<vmem>>[vector<16xi32>, vector<16xi32>], vector<16xf32>,
      %add3A_617 = arith.constant 8 : i32
      %add3A_618 = arith.addi %add3A_585, %add3A_617 : i32
      %lt3A_619 = arith.constant 512 : i32
      %lt3A_620 = arith.cmpi slt, %add3A_618, %lt3A_619 : i32
      %convert_element_type3A_621 = arith.extui %lt3A_620 : i1 to i32
      %cond3A_622 = arith.constant 0 : i32
      %cond3A_623 = arith.cmpi ne, %convert_element_type3A_621, %cond3A_622 : i32
      scf.if %cond3A_623 {
        %add3A_708 = arith.constant 8 : i32
        %add3A_709 = arith.addi %add3A_585, %add3A_708 : i32
        %shift_right_arithmetic3A_710 = arith.constant 7 : i32
        %shift_right_arithmetic3A_711 = arith.shrsi %add3A_709, %shift_right_arithmetic3A_710 : i32
        %shift_right_arithmetic3A_712 = arith.constant 4 : i32
        %shift_right_arithmetic3A_713 = arith.shrsi %add3A_709, %shift_right_arithmetic3A_712 : i32
        %and3A_714 = arith.constant 7 : i32
        %and3A_715 = arith.andi %shift_right_arithmetic3A_713, %and3A_714 : i32
        %mul3A_716 = arith.constant 16 : i32
        %mul3A_717 = arith.muli %and3A_715, %mul3A_716 : i32
        %get3A_718 = arith.index_cast %shift_right_arithmetic3A_711 : i32 to index
        %get3A_719 = arith.index_cast %mul3A_717 : i32 to index
        %get3A_720 = tpu.vector_load %arg5[%get3A_718, %get3A_719] {strides = array<i32>} : memref<4x128xi32, #tpu.memory_space<vmem>>, vector<16xi32>,
        %iota3A_721 = tpu.iota {dimensions = array<i32: 0>} : vector<16xi32>
        %and3A_722 = arith.constant 15 : i32
        %and3A_723 = arith.andi %add3A_709, %and3A_722 : i32
        %eq3A_724 = vector.broadcast %and3A_723 : i32 to vector<16xi32>
        %eq3A_725 = arith.cmpi eq, %iota3A_721, %eq3A_724 : vector<16xi32>
        %jit3A_726 = arith.constant 0 : i32
        %broadcast_in_dim3A_727 = vector.broadcast %jit3A_726 : i32 to vector<16xi32>
        %select_n3A_728 = arith.select %eq3A_725, %get3A_720, %broadcast_in_dim3A_727 : vector<16xi1>, vector<16xi32>
        %reduce_sum3A_729 = arith.constant true
        %reduce_sum3A_730 = vector.broadcast %reduce_sum3A_729 : i1 to vector<16xi1>
        %reduce_sum3A_731 = tpu.scan <sum>, %select_n3A_728 masked %reduce_sum3A_730 : vector<16xi32>, vector<16xi1> -> vector<16xi32>
        %reduce_sum3A_732 = vector.extract %reduce_sum3A_731[15] : i32 from vector<16xi32>
        %and3A_733 = arith.constant 127 : i32
        %and3A_734 = arith.andi %reduce_sum3A_732, %and3A_733 : i32
        %broadcast_in_dim3A_735 = vector.broadcast %and3A_734 : i32 to vector<16xi32>
        %swap3A_736 = arith.constant 5 : i32
        %swap3A_737 = arith.index_cast %swap3A_736 : i32 to index
        %swap3A_738 = arith.constant 0 : index
        %swap3A_739 = tpu.vector_load %arg14[%swap3A_737, %swap3A_738] {strides = array<i32>} : memref<8x16xi32, #tpu.memory_space<vmem>>, vector<16xi32>,
        tpu.vector_store %arg14[%swap3A_737, %swap3A_738], %broadcast_in_dim3A_735 {strides = array<i32>} : memref<8x16xi32, #tpu.memory_space<vmem>>, vector<16xi32>,
        %shift_right_arithmetic3A_740 = arith.constant 7 : i32
        %shift_right_arithmetic3A_741 = arith.shrsi %reduce_sum3A_732, %shift_right_arithmetic3A_740 : i32
        %shift_left3A_742 = arith.constant 7 : i32
        %shift_left3A_743 = arith.shli %shift_right_arithmetic3A_741, %shift_left3A_742 : i32
        %multiple_of3A_744 = tpu.assume_multiple %shift_left3A_743, 128 : i32
        %dma_start3A_745 = arith.constant 0 : i32
        %dma_start3A_746 = arith.constant 0 : i32
        %dma_start3A_747 = tpu.memref_slice %arg11[%dma_start3A_745, %dma_start3A_746] : memref<64x128xf32, #tpu.memory_space<vmem>> -> memref<32x128xf32, #tpu.memory_space<vmem>>
        %dma_start3A_748 = arith.constant 0 : i32
        %dma_start3A_749 = tpu.memref_slice %arg3[%dma_start3A_748, %multiple_of3A_744] : memref<64x1000000xf32, #tpu.memory_space<hbm>> -> memref<32x128xf32, #tpu.memory_space<hbm>>
        %dma_start3A_750 = arith.constant 0 : i32
        %dma_start3A_751 = arith.constant 0 : i32
        %dma_start3A_752 = tpu.memref_slice %arg11[%dma_start3A_750, %dma_start3A_751] : memref<64x128xf32, #tpu.memory_space<vmem>> -> memref<32x128xf32, #tpu.memory_space<vmem>>
        %dma_start3A_753 = arith.constant 0 : i32
        %dma_start3A_754 = tpu.memref_slice %arg3[%dma_start3A_753, %multiple_of3A_744] : memref<64x1000000xf32, #tpu.memory_space<hbm>> -> memref<32x128xf32, #tpu.memory_space<hbm>>
        tpu.enqueue_dma source(%dma_start3A_754 : memref<32x128xf32, #tpu.memory_space<hbm>>) target(%dma_start3A_752 : memref<32x128xf32, #tpu.memory_space<vmem>>) target_semaphore(%arg21 : memref<!tpu.dma_semaphore, #tpu.memory_space<semaphore_mem>>)
        %dma_start3A_755 = arith.constant 32 : i32
        %dma_start3A_756 = arith.constant 0 : i32
        %dma_start3A_757 = tpu.memref_slice %arg11[%dma_start3A_755, %dma_start3A_756] : memref<64x128xf32, #tpu.memory_space<vmem>> -> memref<32x128xf32, #tpu.memory_space<vmem>>
        %dma_start3A_758 = arith.constant 32 : i32
        %dma_start3A_759 = tpu.memref_slice %arg3[%dma_start3A_758, %multiple_of3A_744] : memref<64x1000000xf32, #tpu.memory_space<hbm>> -> memref<32x128xf32, #tpu.memory_space<hbm>>
        %dma_start3A_760 = arith.constant 32 : i32
        %dma_start3A_761 = arith.constant 0 : i32
        %dma_start3A_762 = tpu.memref_slice %arg11[%dma_start3A_760, %dma_start3A_761] : memref<64x128xf32, #tpu.memory_space<vmem>> -> memref<32x128xf32, #tpu.memory_space<vmem>>
        %dma_start3A_763 = arith.constant 32 : i32
        %dma_start3A_764 = tpu.memref_slice %arg3[%dma_start3A_763, %multiple_of3A_744] : memref<64x1000000xf32, #tpu.memory_space<hbm>> -> memref<32x128xf32, #tpu.memory_space<hbm>>
        tpu.enqueue_dma source(%dma_start3A_764 : memref<32x128xf32, #tpu.memory_space<hbm>>) target(%dma_start3A_762 : memref<32x128xf32, #tpu.memory_space<vmem>>) target_semaphore(%arg21 : memref<!tpu.dma_semaphore, #tpu.memory_space<semaphore_mem>>)
      } else {
      }
      %mul3A_624 = arith.constant 8 : i32
      %mul3A_625 = arith.muli %add3A_376, %mul3A_624 : i32
      %add3A_626 = arith.constant 6 : i32
      %add3A_627 = arith.addi %mul3A_625, %add3A_626 : i32
      %dma_wait3A_628 = arith.constant 0 : i32
      %dma_wait3A_629 = arith.constant 0 : i32
      %dma_wait3A_630 = tpu.memref_slice %arg3[%dma_wait3A_628, %dma_wait3A_629] : memref<64x1000000xf32, #tpu.memory_space<hbm>> -> memref<64x128xf32, #tpu.memory_space<hbm>>
      %dma_wait3A_631 = arith.constant 0 : i32
      %dma_wait3A_632 = arith.constant 0 : i32
      %dma_wait3A_633 = tpu.memref_slice %arg3[%dma_wait3A_631, %dma_wait3A_632] : memref<64x1000000xf32, #tpu.memory_space<hbm>> -> memref<64x128xf32, #tpu.memory_space<hbm>>
      tpu.wait_dma2 semaphore(%arg22 : memref<!tpu.dma_semaphore, #tpu.memory_space<semaphore_mem>>) src(%dma_wait3A_633 : memref<64x128xf32, #tpu.memory_space<hbm>>) dst(%arg12 : memref<64x128xf32, #tpu.memory_space<vmem>>)
      %get3A_634 = arith.constant 6 : i32
      %get3A_635 = arith.index_cast %get3A_634 : i32 to index
      %get3A_636 = arith.constant 0 : index
      %get3A_637 = tpu.vector_load %arg14[%get3A_635, %get3A_636] {strides = array<i32>} : memref<8x16xi32, #tpu.memory_space<vmem>>, vector<16xi32>,
      %broadcast_in_dim3A_638 = vector.broadcast %add3A_627 : i32 to vector<16xi32>
      %iota3A_639 = tpu.iota {dimensions = array<i32: 0>} : vector<16xi32>
      %add3A_640 = arith.constant 0 : i32
      %add3A_641 = vector.broadcast %add3A_640 : i32 to vector<16xi32>
      %add3A_642 = arith.addi %iota3A_639, %add3A_641 : vector<16xi32>
      %gather3A_643 = tpu.vector_load_idx %arg12[%add3A_642, %get3A_637] : memref<64x128xf32, #tpu.memory_space<vmem>>[vector<16xi32>, vector<16xi32>], vector<16xf32>,
      tpu.vector_store_idx %arg15[%add3A_642, %broadcast_in_dim3A_638], %gather3A_643 : memref<64x512xf32, #tpu.memory_space<vmem>>[vector<16xi32>, vector<16xi32>], vector<16xf32>,
      %iota3A_644 = tpu.iota {dimensions = array<i32: 0>} : vector<16xi32>
      %add3A_645 = arith.constant 16 : i32
      %add3A_646 = vector.broadcast %add3A_645 : i32 to vector<16xi32>
      %add3A_647 = arith.addi %iota3A_644, %add3A_646 : vector<16xi32>
      %gather3A_648 = tpu.vector_load_idx %arg12[%add3A_647, %get3A_637] : memref<64x128xf32, #tpu.memory_space<vmem>>[vector<16xi32>, vector<16xi32>], vector<16xf32>,
      tpu.vector_store_idx %arg15[%add3A_647, %broadcast_in_dim3A_638], %gather3A_648 : memref<64x512xf32, #tpu.memory_space<vmem>>[vector<16xi32>, vector<16xi32>], vector<16xf32>,
      %iota3A_649 = tpu.iota {dimensions = array<i32: 0>} : vector<16xi32>
      %add3A_650 = arith.constant 32 : i32
      %add3A_651 = vector.broadcast %add3A_650 : i32 to vector<16xi32>
      %add3A_652 = arith.addi %iota3A_649, %add3A_651 : vector<16xi32>
      %gather3A_653 = tpu.vector_load_idx %arg12[%add3A_652, %get3A_637] : memref<64x128xf32, #tpu.memory_space<vmem>>[vector<16xi32>, vector<16xi32>], vector<16xf32>,
      tpu.vector_store_idx %arg15[%add3A_652, %broadcast_in_dim3A_638], %gather3A_653 : memref<64x512xf32, #tpu.memory_space<vmem>>[vector<16xi32>, vector<16xi32>], vector<16xf32>,
      %iota3A_654 = tpu.iota {dimensions = array<i32: 0>} : vector<16xi32>
      %add3A_655 = arith.constant 48 : i32
      %add3A_656 = vector.broadcast %add3A_655 : i32 to vector<16xi32>
      %add3A_657 = arith.addi %iota3A_654, %add3A_656 : vector<16xi32>
      %gather3A_658 = tpu.vector_load_idx %arg12[%add3A_657, %get3A_637] : memref<64x128xf32, #tpu.memory_space<vmem>>[vector<16xi32>, vector<16xi32>], vector<16xf32>,
      tpu.vector_store_idx %arg15[%add3A_657, %broadcast_in_dim3A_638], %gather3A_658 : memref<64x512xf32, #tpu.memory_space<vmem>>[vector<16xi32>, vector<16xi32>], vector<16xf32>,
      %add3A_659 = arith.constant 8 : i32
      %add3A_660 = arith.addi %add3A_627, %add3A_659 : i32
      %lt3A_661 = arith.constant 512 : i32
      %lt3A_662 = arith.cmpi slt, %add3A_660, %lt3A_661 : i32
      %convert_element_type3A_663 = arith.extui %lt3A_662 : i1 to i32
      %cond3A_664 = arith.constant 0 : i32
      %cond3A_665 = arith.cmpi ne, %convert_element_type3A_663, %cond3A_664 : i32
      scf.if %cond3A_665 {
        %add3A_708 = arith.constant 8 : i32
        %add3A_709 = arith.addi %add3A_627, %add3A_708 : i32
        %shift_right_arithmetic3A_710 = arith.constant 7 : i32
        %shift_right_arithmetic3A_711 = arith.shrsi %add3A_709, %shift_right_arithmetic3A_710 : i32
        %shift_right_arithmetic3A_712 = arith.constant 4 : i32
        %shift_right_arithmetic3A_713 = arith.shrsi %add3A_709, %shift_right_arithmetic3A_712 : i32
        %and3A_714 = arith.constant 7 : i32
        %and3A_715 = arith.andi %shift_right_arithmetic3A_713, %and3A_714 : i32
        %mul3A_716 = arith.constant 16 : i32
        %mul3A_717 = arith.muli %and3A_715, %mul3A_716 : i32
        %get3A_718 = arith.index_cast %shift_right_arithmetic3A_711 : i32 to index
        %get3A_719 = arith.index_cast %mul3A_717 : i32 to index
        %get3A_720 = tpu.vector_load %arg5[%get3A_718, %get3A_719] {strides = array<i32>} : memref<4x128xi32, #tpu.memory_space<vmem>>, vector<16xi32>,
        %iota3A_721 = tpu.iota {dimensions = array<i32: 0>} : vector<16xi32>
        %and3A_722 = arith.constant 15 : i32
        %and3A_723 = arith.andi %add3A_709, %and3A_722 : i32
        %eq3A_724 = vector.broadcast %and3A_723 : i32 to vector<16xi32>
        %eq3A_725 = arith.cmpi eq, %iota3A_721, %eq3A_724 : vector<16xi32>
        %jit3A_726 = arith.constant 0 : i32
        %broadcast_in_dim3A_727 = vector.broadcast %jit3A_726 : i32 to vector<16xi32>
        %select_n3A_728 = arith.select %eq3A_725, %get3A_720, %broadcast_in_dim3A_727 : vector<16xi1>, vector<16xi32>
        %reduce_sum3A_729 = arith.constant true
        %reduce_sum3A_730 = vector.broadcast %reduce_sum3A_729 : i1 to vector<16xi1>
        %reduce_sum3A_731 = tpu.scan <sum>, %select_n3A_728 masked %reduce_sum3A_730 : vector<16xi32>, vector<16xi1> -> vector<16xi32>
        %reduce_sum3A_732 = vector.extract %reduce_sum3A_731[15] : i32 from vector<16xi32>
        %and3A_733 = arith.constant 127 : i32
        %and3A_734 = arith.andi %reduce_sum3A_732, %and3A_733 : i32
        %broadcast_in_dim3A_735 = vector.broadcast %and3A_734 : i32 to vector<16xi32>
        %swap3A_736 = arith.constant 6 : i32
        %swap3A_737 = arith.index_cast %swap3A_736 : i32 to index
        %swap3A_738 = arith.constant 0 : index
        %swap3A_739 = tpu.vector_load %arg14[%swap3A_737, %swap3A_738] {strides = array<i32>} : memref<8x16xi32, #tpu.memory_space<vmem>>, vector<16xi32>,
        tpu.vector_store %arg14[%swap3A_737, %swap3A_738], %broadcast_in_dim3A_735 {strides = array<i32>} : memref<8x16xi32, #tpu.memory_space<vmem>>, vector<16xi32>,
        %shift_right_arithmetic3A_740 = arith.constant 7 : i32
        %shift_right_arithmetic3A_741 = arith.shrsi %reduce_sum3A_732, %shift_right_arithmetic3A_740 : i32
        %shift_left3A_742 = arith.constant 7 : i32
        %shift_left3A_743 = arith.shli %shift_right_arithmetic3A_741, %shift_left3A_742 : i32
        %multiple_of3A_744 = tpu.assume_multiple %shift_left3A_743, 128 : i32
        %dma_start3A_745 = arith.constant 0 : i32
        %dma_start3A_746 = arith.constant 0 : i32
        %dma_start3A_747 = tpu.memref_slice %arg12[%dma_start3A_745, %dma_start3A_746] : memref<64x128xf32, #tpu.memory_space<vmem>> -> memref<32x128xf32, #tpu.memory_space<vmem>>
        %dma_start3A_748 = arith.constant 0 : i32
        %dma_start3A_749 = tpu.memref_slice %arg3[%dma_start3A_748, %multiple_of3A_744] : memref<64x1000000xf32, #tpu.memory_space<hbm>> -> memref<32x128xf32, #tpu.memory_space<hbm>>
        %dma_start3A_750 = arith.constant 0 : i32
        %dma_start3A_751 = arith.constant 0 : i32
        %dma_start3A_752 = tpu.memref_slice %arg12[%dma_start3A_750, %dma_start3A_751] : memref<64x128xf32, #tpu.memory_space<vmem>> -> memref<32x128xf32, #tpu.memory_space<vmem>>
        %dma_start3A_753 = arith.constant 0 : i32
        %dma_start3A_754 = tpu.memref_slice %arg3[%dma_start3A_753, %multiple_of3A_744] : memref<64x1000000xf32, #tpu.memory_space<hbm>> -> memref<32x128xf32, #tpu.memory_space<hbm>>
        tpu.enqueue_dma source(%dma_start3A_754 : memref<32x128xf32, #tpu.memory_space<hbm>>) target(%dma_start3A_752 : memref<32x128xf32, #tpu.memory_space<vmem>>) target_semaphore(%arg22 : memref<!tpu.dma_semaphore, #tpu.memory_space<semaphore_mem>>)
        %dma_start3A_755 = arith.constant 32 : i32
        %dma_start3A_756 = arith.constant 0 : i32
        %dma_start3A_757 = tpu.memref_slice %arg12[%dma_start3A_755, %dma_start3A_756] : memref<64x128xf32, #tpu.memory_space<vmem>> -> memref<32x128xf32, #tpu.memory_space<vmem>>
        %dma_start3A_758 = arith.constant 32 : i32
        %dma_start3A_759 = tpu.memref_slice %arg3[%dma_start3A_758, %multiple_of3A_744] : memref<64x1000000xf32, #tpu.memory_space<hbm>> -> memref<32x128xf32, #tpu.memory_space<hbm>>
        %dma_start3A_760 = arith.constant 32 : i32
        %dma_start3A_761 = arith.constant 0 : i32
        %dma_start3A_762 = tpu.memref_slice %arg12[%dma_start3A_760, %dma_start3A_761] : memref<64x128xf32, #tpu.memory_space<vmem>> -> memref<32x128xf32, #tpu.memory_space<vmem>>
        %dma_start3A_763 = arith.constant 32 : i32
        %dma_start3A_764 = tpu.memref_slice %arg3[%dma_start3A_763, %multiple_of3A_744] : memref<64x1000000xf32, #tpu.memory_space<hbm>> -> memref<32x128xf32, #tpu.memory_space<hbm>>
        tpu.enqueue_dma source(%dma_start3A_764 : memref<32x128xf32, #tpu.memory_space<hbm>>) target(%dma_start3A_762 : memref<32x128xf32, #tpu.memory_space<vmem>>) target_semaphore(%arg22 : memref<!tpu.dma_semaphore, #tpu.memory_space<semaphore_mem>>)
      } else {
      }
      %mul3A_666 = arith.constant 8 : i32
      %mul3A_667 = arith.muli %add3A_376, %mul3A_666 : i32
      %add3A_668 = arith.constant 7 : i32
      %add3A_669 = arith.addi %mul3A_667, %add3A_668 : i32
      %dma_wait3A_670 = arith.constant 0 : i32
      %dma_wait3A_671 = arith.constant 0 : i32
      %dma_wait3A_672 = tpu.memref_slice %arg3[%dma_wait3A_670, %dma_wait3A_671] : memref<64x1000000xf32, #tpu.memory_space<hbm>> -> memref<64x128xf32, #tpu.memory_space<hbm>>
      %dma_wait3A_673 = arith.constant 0 : i32
      %dma_wait3A_674 = arith.constant 0 : i32
      %dma_wait3A_675 = tpu.memref_slice %arg3[%dma_wait3A_673, %dma_wait3A_674] : memref<64x1000000xf32, #tpu.memory_space<hbm>> -> memref<64x128xf32, #tpu.memory_space<hbm>>
      tpu.wait_dma2 semaphore(%arg23 : memref<!tpu.dma_semaphore, #tpu.memory_space<semaphore_mem>>) src(%dma_wait3A_675 : memref<64x128xf32, #tpu.memory_space<hbm>>) dst(%arg13 : memref<64x128xf32, #tpu.memory_space<vmem>>)
      %get3A_676 = arith.constant 7 : i32
      %get3A_677 = arith.index_cast %get3A_676 : i32 to index
      %get3A_678 = arith.constant 0 : index
      %get3A_679 = tpu.vector_load %arg14[%get3A_677, %get3A_678] {strides = array<i32>} : memref<8x16xi32, #tpu.memory_space<vmem>>, vector<16xi32>,
      %broadcast_in_dim3A_680 = vector.broadcast %add3A_669 : i32 to vector<16xi32>
      %iota3A_681 = tpu.iota {dimensions = array<i32: 0>} : vector<16xi32>
      %add3A_682 = arith.constant 0 : i32
      %add3A_683 = vector.broadcast %add3A_682 : i32 to vector<16xi32>
      %add3A_684 = arith.addi %iota3A_681, %add3A_683 : vector<16xi32>
      %gather3A_685 = tpu.vector_load_idx %arg13[%add3A_684, %get3A_679] : memref<64x128xf32, #tpu.memory_space<vmem>>[vector<16xi32>, vector<16xi32>], vector<16xf32>,
      tpu.vector_store_idx %arg15[%add3A_684, %broadcast_in_dim3A_680], %gather3A_685 : memref<64x512xf32, #tpu.memory_space<vmem>>[vector<16xi32>, vector<16xi32>], vector<16xf32>,
      %iota3A_686 = tpu.iota {dimensions = array<i32: 0>} : vector<16xi32>
      %add3A_687 = arith.constant 16 : i32
      %add3A_688 = vector.broadcast %add3A_687 : i32 to vector<16xi32>
      %add3A_689 = arith.addi %iota3A_686, %add3A_688 : vector<16xi32>
      %gather3A_690 = tpu.vector_load_idx %arg13[%add3A_689, %get3A_679] : memref<64x128xf32, #tpu.memory_space<vmem>>[vector<16xi32>, vector<16xi32>], vector<16xf32>,
      tpu.vector_store_idx %arg15[%add3A_689, %broadcast_in_dim3A_680], %gather3A_690 : memref<64x512xf32, #tpu.memory_space<vmem>>[vector<16xi32>, vector<16xi32>], vector<16xf32>,
      %iota3A_691 = tpu.iota {dimensions = array<i32: 0>} : vector<16xi32>
      %add3A_692 = arith.constant 32 : i32
      %add3A_693 = vector.broadcast %add3A_692 : i32 to vector<16xi32>
      %add3A_694 = arith.addi %iota3A_691, %add3A_693 : vector<16xi32>
      %gather3A_695 = tpu.vector_load_idx %arg13[%add3A_694, %get3A_679] : memref<64x128xf32, #tpu.memory_space<vmem>>[vector<16xi32>, vector<16xi32>], vector<16xf32>,
      tpu.vector_store_idx %arg15[%add3A_694, %broadcast_in_dim3A_680], %gather3A_695 : memref<64x512xf32, #tpu.memory_space<vmem>>[vector<16xi32>, vector<16xi32>], vector<16xf32>,
      %iota3A_696 = tpu.iota {dimensions = array<i32: 0>} : vector<16xi32>
      %add3A_697 = arith.constant 48 : i32
      %add3A_698 = vector.broadcast %add3A_697 : i32 to vector<16xi32>
      %add3A_699 = arith.addi %iota3A_696, %add3A_698 : vector<16xi32>
      %gather3A_700 = tpu.vector_load_idx %arg13[%add3A_699, %get3A_679] : memref<64x128xf32, #tpu.memory_space<vmem>>[vector<16xi32>, vector<16xi32>], vector<16xf32>,
      tpu.vector_store_idx %arg15[%add3A_699, %broadcast_in_dim3A_680], %gather3A_700 : memref<64x512xf32, #tpu.memory_space<vmem>>[vector<16xi32>, vector<16xi32>], vector<16xf32>,
      %add3A_701 = arith.constant 8 : i32
      %add3A_702 = arith.addi %add3A_669, %add3A_701 : i32
      %lt3A_703 = arith.constant 512 : i32
      %lt3A_704 = arith.cmpi slt, %add3A_702, %lt3A_703 : i32
      %convert_element_type3A_705 = arith.extui %lt3A_704 : i1 to i32
      %cond3A_706 = arith.constant 0 : i32
      %cond3A_707 = arith.cmpi ne, %convert_element_type3A_705, %cond3A_706 : i32
      scf.if %cond3A_707 {
        %add3A_708 = arith.constant 8 : i32
        %add3A_709 = arith.addi %add3A_669, %add3A_708 : i32
        %shift_right_arithmetic3A_710 = arith.constant 7 : i32
        %shift_right_arithmetic3A_711 = arith.shrsi %add3A_709, %shift_right_arithmetic3A_710 : i32
        %shift_right_arithmetic3A_712 = arith.constant 4 : i32
        %shift_right_arithmetic3A_713 = arith.shrsi %add3A_709, %shift_right_arithmetic3A_712 : i32
        %and3A_714 = arith.constant 7 : i32
        %and3A_715 = arith.andi %shift_right_arithmetic3A_713, %and3A_714 : i32
        %mul3A_716 = arith.constant 16 : i32
        %mul3A_717 = arith.muli %and3A_715, %mul3A_716 : i32
        %get3A_718 = arith.index_cast %shift_right_arithmetic3A_711 : i32 to index
        %get3A_719 = arith.index_cast %mul3A_717 : i32 to index
        %get3A_720 = tpu.vector_load %arg5[%get3A_718, %get3A_719] {strides = array<i32>} : memref<4x128xi32, #tpu.memory_space<vmem>>, vector<16xi32>,
        %iota3A_721 = tpu.iota {dimensions = array<i32: 0>} : vector<16xi32>
        %and3A_722 = arith.constant 15 : i32
        %and3A_723 = arith.andi %add3A_709, %and3A_722 : i32
        %eq3A_724 = vector.broadcast %and3A_723 : i32 to vector<16xi32>
        %eq3A_725 = arith.cmpi eq, %iota3A_721, %eq3A_724 : vector<16xi32>
        %jit3A_726 = arith.constant 0 : i32
        %broadcast_in_dim3A_727 = vector.broadcast %jit3A_726 : i32 to vector<16xi32>
        %select_n3A_728 = arith.select %eq3A_725, %get3A_720, %broadcast_in_dim3A_727 : vector<16xi1>, vector<16xi32>
        %reduce_sum3A_729 = arith.constant true
        %reduce_sum3A_730 = vector.broadcast %reduce_sum3A_729 : i1 to vector<16xi1>
        %reduce_sum3A_731 = tpu.scan <sum>, %select_n3A_728 masked %reduce_sum3A_730 : vector<16xi32>, vector<16xi1> -> vector<16xi32>
        %reduce_sum3A_732 = vector.extract %reduce_sum3A_731[15] : i32 from vector<16xi32>
        %and3A_733 = arith.constant 127 : i32
        %and3A_734 = arith.andi %reduce_sum3A_732, %and3A_733 : i32
        %broadcast_in_dim3A_735 = vector.broadcast %and3A_734 : i32 to vector<16xi32>
        %swap3A_736 = arith.constant 7 : i32
        %swap3A_737 = arith.index_cast %swap3A_736 : i32 to index
        %swap3A_738 = arith.constant 0 : index
        %swap3A_739 = tpu.vector_load %arg14[%swap3A_737, %swap3A_738] {strides = array<i32>} : memref<8x16xi32, #tpu.memory_space<vmem>>, vector<16xi32>,
        tpu.vector_store %arg14[%swap3A_737, %swap3A_738], %broadcast_in_dim3A_735 {strides = array<i32>} : memref<8x16xi32, #tpu.memory_space<vmem>>, vector<16xi32>,
        %shift_right_arithmetic3A_740 = arith.constant 7 : i32
        %shift_right_arithmetic3A_741 = arith.shrsi %reduce_sum3A_732, %shift_right_arithmetic3A_740 : i32
        %shift_left3A_742 = arith.constant 7 : i32
        %shift_left3A_743 = arith.shli %shift_right_arithmetic3A_741, %shift_left3A_742 : i32
        %multiple_of3A_744 = tpu.assume_multiple %shift_left3A_743, 128 : i32
        %dma_start3A_745 = arith.constant 0 : i32
        %dma_start3A_746 = arith.constant 0 : i32
        %dma_start3A_747 = tpu.memref_slice %arg13[%dma_start3A_745, %dma_start3A_746] : memref<64x128xf32, #tpu.memory_space<vmem>> -> memref<32x128xf32, #tpu.memory_space<vmem>>
        %dma_start3A_748 = arith.constant 0 : i32
        %dma_start3A_749 = tpu.memref_slice %arg3[%dma_start3A_748, %multiple_of3A_744] : memref<64x1000000xf32, #tpu.memory_space<hbm>> -> memref<32x128xf32, #tpu.memory_space<hbm>>
        %dma_start3A_750 = arith.constant 0 : i32
        %dma_start3A_751 = arith.constant 0 : i32
        %dma_start3A_752 = tpu.memref_slice %arg13[%dma_start3A_750, %dma_start3A_751] : memref<64x128xf32, #tpu.memory_space<vmem>> -> memref<32x128xf32, #tpu.memory_space<vmem>>
        %dma_start3A_753 = arith.constant 0 : i32
        %dma_start3A_754 = tpu.memref_slice %arg3[%dma_start3A_753, %multiple_of3A_744] : memref<64x1000000xf32, #tpu.memory_space<hbm>> -> memref<32x128xf32, #tpu.memory_space<hbm>>
        tpu.enqueue_dma source(%dma_start3A_754 : memref<32x128xf32, #tpu.memory_space<hbm>>) target(%dma_start3A_752 : memref<32x128xf32, #tpu.memory_space<vmem>>) target_semaphore(%arg23 : memref<!tpu.dma_semaphore, #tpu.memory_space<semaphore_mem>>)
        %dma_start3A_755 = arith.constant 32 : i32
        %dma_start3A_756 = arith.constant 0 : i32
        %dma_start3A_757 = tpu.memref_slice %arg13[%dma_start3A_755, %dma_start3A_756] : memref<64x128xf32, #tpu.memory_space<vmem>> -> memref<32x128xf32, #tpu.memory_space<vmem>>
        %dma_start3A_758 = arith.constant 32 : i32
        %dma_start3A_759 = tpu.memref_slice %arg3[%dma_start3A_758, %multiple_of3A_744] : memref<64x1000000xf32, #tpu.memory_space<hbm>> -> memref<32x128xf32, #tpu.memory_space<hbm>>
        %dma_start3A_760 = arith.constant 32 : i32
        %dma_start3A_761 = arith.constant 0 : i32
        %dma_start3A_762 = tpu.memref_slice %arg13[%dma_start3A_760, %dma_start3A_761] : memref<64x128xf32, #tpu.memory_space<vmem>> -> memref<32x128xf32, #tpu.memory_space<vmem>>
        %dma_start3A_763 = arith.constant 32 : i32
        %dma_start3A_764 = tpu.memref_slice %arg3[%dma_start3A_763, %multiple_of3A_744] : memref<64x1000000xf32, #tpu.memory_space<hbm>> -> memref<32x128xf32, #tpu.memory_space<hbm>>
        tpu.enqueue_dma source(%dma_start3A_764 : memref<32x128xf32, #tpu.memory_space<hbm>>) target(%dma_start3A_762 : memref<32x128xf32, #tpu.memory_space<vmem>>) target_semaphore(%arg23 : memref<!tpu.dma_semaphore, #tpu.memory_space<semaphore_mem>>)
      } else {
      }
    }
    %scan3A_369 = arith.constant 64 : i32
    %mul3A_370 = arith.constant 512 : i32
    %mul3A_371 = arith.muli %add3A, %mul3A_370 : i32
    "tpu.region"() ({
      %run_scoped3A = tpu.sem_alloc : memref<!tpu.dma_semaphore, #tpu.memory_space<semaphore_mem>>
      %dma_start3A_372 = arith.constant 0 : i32
      %dma_start3A_373 = tpu.memref_slice %arg4[%dma_start3A_372, %mul3A_371] : memref<64x16384xf32, #tpu.memory_space<hbm>> -> memref<64x512xf32, #tpu.memory_space<hbm>>
      %dma_start3A_374 = arith.constant 0 : i32
      %dma_start3A_375 = tpu.memref_slice %arg4[%dma_start3A_374, %mul3A_371] : memref<64x16384xf32, #tpu.memory_space<hbm>> -> memref<64x512xf32, #tpu.memory_space<hbm>>
      tpu.enqueue_dma source(%arg15 : memref<64x512xf32, #tpu.memory_space<vmem>>) target(%dma_start3A_375 : memref<64x512xf32, #tpu.memory_space<hbm>>) target_semaphore(%run_scoped3A : memref<!tpu.dma_semaphore, #tpu.memory_space<semaphore_mem>>)
      %dma_wait3A = arith.constant 0 : i32
      %dma_wait3A_376 = tpu.memref_slice %arg4[%dma_wait3A, %mul3A_371] : memref<64x16384xf32, #tpu.memory_space<hbm>> -> memref<64x512xf32, #tpu.memory_space<hbm>>
      %dma_wait3A_377 = arith.constant 0 : i32
      %dma_wait3A_378 = tpu.memref_slice %arg4[%dma_wait3A_377, %mul3A_371] : memref<64x16384xf32, #tpu.memory_space<hbm>> -> memref<64x512xf32, #tpu.memory_space<hbm>>
      tpu.wait_dma2 semaphore(%run_scoped3A : memref<!tpu.dma_semaphore, #tpu.memory_space<semaphore_mem>>) src(%arg15 : memref<64x512xf32, #tpu.memory_space<vmem>>) dst(%dma_wait3A_378 : memref<64x512xf32, #tpu.memory_space<hbm>>)
      tpu.yield
    }) : () -> ()
    return
  }
}

</mosaic_0001>

<sc_bundles>
// kernel: kernel.3.cloned.1.call-start
scs
__scs_entry_jumppad:
0x0: {  	(pc) =	sbr.rel $0x88, $3  }
0x1: {  	(tag) =	ssettag $0x0;
	lr =	simm.s32 $0x1  }
0x2: {  	[smem:$0x3F9F] =	sst lr;
	_ =	strace $0xD0000000  }
0x3: {  	_ = 	snop  }
0x4: {  	_ = 	snop  }
0x5: {  	_ = 	snop  }
0x6: {  	_ = 	snop  }
0x7: {  	_ = 	snop  }
__scs_overlays_trampoline_lowered:
0x8: {  	[smem:$0x3FAE] =	sst s0  }
0x9: {  	[smem:$0x3FAF] =	sst s1  }
0xa: {  	[smem:$0x3FB0] =	sst s2  }
0xb: {  	[smem:$0x3FB1] =	sst s3  }
0xc: {  	[smem:$0x3FB2] =	sst s4  }
0xd: {  	[smem:$0x3FB3] =	sst s5  }
0xe: {  	[smem:$0x3FB4] =	sst s6  }
0xf: {  	[smem:$0x3FB5] =	sst s7  }
0x10: {  	[smem:$0x3FB6] =	sst s8  }
0x11: {  	[smem:$0x3FB7] =	sst s9;
	s0 =	simm.s32 @!p0 $0x0  }
0x12: {  	s1 =	sld [smem:$0x3F9D];
	s0 =	simm.s32 @p0 $0x1  }
0x13: {  	[smem:$0x3FB8] =	sst s0;
	s0 =	simm.s32 @!p1 $0x0  }
0x14: {  	s2 =	sld [smem:$0x3F9C];
	s0 =	simm.s32 @p1 $0x1  }
0x15: {  	[smem:$0x3FB9] =	sst s0;
	s0 =	simm.s32 @!p2 $0x0  }
0x16: {  	s3 =	sld [smem:$0x3FDB];
	s0 =	simm.s32 @p2 $0x1  }
0x17: {  	s4 =	simm.s32 $0x1BF5;
	[smem:$0x3FBB] =	sst s0  }
0x18: {  	s0 =	sld [smem:$0x3F9E];
	_ =	swait.ge [sflag:s4], $0x0  }
0x19: {  	s7 =	sld [smem:$0x3F9F]  }
0x1a: {  	s8 =	sadd.s32 $0xFFFFE003, lr  }
0x1b: {  	s9 =	sadd.s32 $0xFFFFFEF7, lr;
	s5 =	simm.s32 $0xFFFFFFFF;
	p2 =	slt.u32 s8, $0xFFFFF086  }
0x1c: {  	p1 =	slt.u32 s9, $0xF7A;
	s5 =	simm.s32 @!p2 $0x0  }
0x1d: {  	s5 =	simm.s32 @p1 $0x1;
	p0 =	seq.s32 s7, s2  }
0x1e: {  	s7 =	smul.u32 @!p0 $0xF7A, s2;
	p2 =	seq.s32 @!p0 s5, $0x0  }
0x1f: {  	s9 =	smul.u32 $0xF7A, s1;
	s8 =	simm.s32 @!p0 $0x1BF5;
	p2 =	por !p2, p0  }
0x20: {  	[sflag:s8] =	ssyncset.s32 @!p0 $0xFFFFF086;
	s6 =	sadd.s32 @!p0 s3, s7;
	s7 =	simm.s32 @!p0 $0x108  }
0x21: {  	s3 =	sadd.s32 s3, s9;
	s6 =	sadd.s32 @!p0 $0x88, s6;
	s7 =	simm.s32 @p2 $0x1082  }
0x22: {  	[simem:s7], [sflag:s8] =	dma.local @!p0 [hbm:s6], $0xF7A  }
0x23: {  	s9 =	sor.u32 $0xD0000000, s2;
	s6 =	simm.s32 $0x108;
	_ =	swait.ge @!p0 [sflag:s8], $0x0  }
0x24: {  	s3 =	sadd.s32 $0x88, s3;
	s6 =	simm.s32 @!p1 $0x1082;
	[sflag:s4] =	ssyncset.s32 $0xFFFFF086  }
0x25: {  	[simem:s6], [sflag:s4] =	dma.local [hbm:s3], $0xF7A  }
0x26: {  	[smem:$0x3F9F] =	sst s1;
	(tag) =	ssettag s2;
	_ =	strace s9  }
0x27: {  	s1 =	sld [smem:$0x3FAF]  }
0x28: {  	s2 =	sld [smem:$0x3FB0]  }
0x29: {  	s4 =	sld [smem:$0x3FB2]  }
0x2a: {  	p0 =	seq.s32 s5, $0x0;
	s5 =	sld [smem:$0x3FB3]  }
0x2b: {  	s6 =	sld [smem:$0x3FB4]  }
0x2c: {  	s7 =	sld [smem:$0x3FB5]  }
0x2d: {  	s3 =	simm.s32 $0x108;
	s8 =	sld [smem:$0x3FB6]  }
0x2e: {  	s3 =	simm.s32 @!p0 $0x1082;
	s9 =	sld [smem:$0x3FB7]  }
0x2f: {  	lr =	sadd.s32 s0, s3;
	s0 =	sld [smem:$0x3FAE]  }
0x30: {  	s3 =	sld [smem:$0x3FB1]  }
0x31: {  	[smem:$0x3FBA] =	sst s10  }
0x32: {  	s10 =	sld [smem:$0x3FB8];
	_ =	sdelay $0x3  }
0x33: {  	p0 =	seq.s32 s10, $0x1;
	s10 =	sld [smem:$0x3FBA];
	_ =	sdelay $0x3  }
0x34: {  	[smem:$0x3FBA] =	sst s10  }
0x35: {  	s10 =	sld [smem:$0x3FB9];
	_ =	sdelay $0x3  }
0x36: {  	p1 =	seq.s32 s10, $0x1;
	s10 =	sld [smem:$0x3FBA];
	_ =	sdelay $0x3  }
0x37: {  	[smem:$0x3FBA] =	sst s10  }
0x38: {  	s10 =	sld [smem:$0x3FBB]  }
0x39: {  	_ = 	snop;
	(pc) =	sbr.ind lr, $3  }
0x3a: {  	_ = 	snop  }
0x3b: {  	_ = 	snop  }
0x3c: {  	p2 =	seq.s32 s10, $0x1;
	s10 =	sld [smem:$0x3FBA]  }
0x3d: {  	_ =	shalt  }
0x3e: {  	_ =	shalt  }
0x3f: {  	_ =	shalt  }
0x40: {  	_ =	shalt  }
0x41: {  	_ =	shalt  }
0x42: {  	_ =	shalt  }
0x43: {  	_ =	shalt  }
0x44: {  	_ =	shalt  }
0x45: {  	_ =	shalt  }
0x46: {  	_ =	shalt  }
0x47: {  	_ =	shalt  }
0x48: {  	_ =	shalt  }
0x49: {  	_ =	shalt  }
0x4a: {  	_ =	shalt  }
0x4b: {  	_ =	shalt  }
0x4c: {  	_ =	shalt  }
0x4d: {  	_ =	shalt  }
0x4e: {  	_ =	shalt  }
0x4f: {  	_ =	shalt  }
0x50: {  	_ =	shalt  }
0x51: {  	_ =	shalt  }
0x52: {  	_ =	shalt  }
0x53: {  	_ =	shalt  }
0x54: {  	_ =	shalt  }
0x55: {  	_ =	shalt  }
0x56: {  	_ =	shalt  }
0x57: {  	_ =	shalt  }
0x58: {  	_ =	shalt  }
0x59: {  	_ =	shalt  }
0x5a: {  	_ =	shalt  }
0x5b: {  	_ =	shalt  }
0x5c: {  	_ =	shalt  }
0x5d: {  	_ =	shalt  }
0x5e: {  	_ =	shalt  }
0x5f: {  	_ =	shalt  }
0x60: {  	_ =	shalt  }
0x61: {  	_ =	shalt  }
0x62: {  	_ =	shalt  }
0x63: {  	_ =	shalt  }
0x64: {  	_ =	shalt  }
0x65: {  	_ =	shalt  }
0x66: {  	_ =	shalt  }
0x67: {  	_ =	shalt  }
0x68: {  	_ =	shalt  }
0x69: {  	_ =	shalt  }
0x6a: {  	_ =	shalt  }
0x6b: {  	_ =	shalt  }
0x6c: {  	_ =	shalt  }
0x6d: {  	_ =	shalt  }
0x6e: {  	_ =	shalt  }
0x6f: {  	_ =	shalt  }
0x70: {  	_ =	shalt  }
0x71: {  	_ =	shalt  }
0x72: {  	_ =	shalt  }
0x73: {  	_ =	shalt  }
0x74: {  	_ =	shalt  }
0x75: {  	_ =	shalt  }
0x76: {  	_ =	shalt  }
0x77: {  	_ =	shalt  }
0x78: {  	_ =	shalt  }
0x79: {  	_ =	shalt  }
0x7a: {  	_ =	shalt  }
0x7b: {  	_ =	shalt  }
0x7c: {  	_ =	shalt  }
0x7d: {  	_ =	shalt  }
0x7e: {  	_ =	shalt  }
0x7f: {  	_ =	shalt  }
0x80: {  	_ =	shalt  }
0x81: {  	_ =	shalt  }
0x82: {  	_ =	shalt  }
0x83: {  	_ =	shalt  }
0x84: {  	_ =	shalt  }
0x85: {  	_ =	shalt  }
0x86: {  	_ =	shalt  }
0x87: {  	_ =	shalt  }
.Lfunc_end0:
.L_simem_size_0:
called_computation_lowered:
.L_overlay_start_0:
0x88: {  	s2 =	sld [smem:$0x3FD9]  }
0x89: {  	s3 =	sld [smem:$0x3FFE];
	_ =	sdelay $0x1  }
0x8a: {  	s1 =	srdreg.scid  }
0x8b: {  	s0 =	sand.u32 $0x1, s1  }
0x8c: {  	s18 =	sshll.u32 s0, $0xA;
	s2 =	sadd.s32 s3, s2  }
0x8d: {  	s2 =	sadd.s32 s2, s18  }
0x8e: {  	[smem:$0x3FC6] =	sst s2  }
0x8f: {  	_ = 	snop  }
0x90: {  	s2 =	sld [smem:$0x3FC9]  }
0x91: {  	s19 =	sld [smem:$0x3FC8]  }
0x92: {  	s4 =	sld [smem:$0x3FD0];
	(tm) =	ssettm $0x1  }
0x93: {  	s5 =	sld [smem:$0x3FFB];
	_ =	sdelay $0x3  }
0x94: {  	_ =	strace s5  }
0x95: {  	s5 =	sld [smem:$0x3FFC];
	_ =	sdelay $0x3  }
0x96: {  	_ =	strace s5  }
0x97: {  	s5 =	sld [smem:$0x3FFD];
	_ =	sdelay $0x3  }
0x98: {  	_ =	strace s5  }
0x99: {  	_ =	strace $0x8FFFFFFF  }
0x9a: {  	s20 =	sld [smem:$0x3FDB];
	_ =	sdelay $0x1  }
0x9b: {  	s6 =	simm.s32 $_scs_section_size  }
0x9c: {  	s7 =	simm.s32 $_size__tile_overlayer_lowered;
	s8 =	simm.s32 $_tile_overlayer_lowered  }
0x9d: {  	s23 =	simm.s32 $0x1BFF;
	s22 =	sshll.u32 s8, $0x1;
	s5 =	sadd.s32 s6, s20  }
0x9e: {  	s9 =	simm.s32 $0x0;
	s21 =	sshll.u32 s7, $0x1;
	s7 =	sadd.s32 s22, s5  }
0x9f: {  	[timem:s9], [sflag:s23] =	dma.local [hbm:s7], s21  }
0xa0: {  	_ =	swait.ge [sflag:s23], s21  }
0xa1: {  	s6 =	ssub.s32 $0x0, s21;
	[sflag:s23] =	ssyncset.done $0x0  }
0xa2: {  	[sflag:s23] =	ssyncadd.s32 s6;
	_ =	sdelay $0x1  }
0xa3: {  	s24 =	simm.s32 $0x1B8B  }
0xa4: {  	_ =	swait.ge [sflag:s24], $0x1  }
0xa5: {  	[sflag:s24] =	ssyncset.done $0x0  }
0xa6: {  	s25 =	simm.s32 $0x1B8E;
	[sflag:s24] =	ssyncadd.s32 $0xFFFFFFFF  }
0xa7: {  	s26 =	simm.s32 $execute0_lowered;
	[smem:$0x3FD2] =	sst s25  }
0xa8: {  	s6 =	sshll.u32 s26, $0x1;
	_ =	strace $0x80000046;
	[dreg:$0x1] =	wrdreg $0xFFFFFFFF  }
0xa9: {  	s28 =	simm.s32 $_size_execute0_lowered;
	s5 =	sadd.s32 s5, s6;
	[dreg:$0x0] =	wrdreg $0x0  }
0xaa: {  	s6 =	sshll.u32 s28, $0x1;
	[dreg:$0x2] =	wrdreg s5  }
0xab: {  	[dreg:$0x3] =	wrdreg s6  }
0xac: {  	[dreg:$0x4] =	wrdreg $0xC0  }
0xad: {  	_ =	task [dreg:s9], $0x5FFFF  }
0xae: {  	[dreg:$0x1] =	wrdreg $0xFFFFFFFF  }
0xaf: {  	[dreg:$0x0] =	wrdreg $0x60  }
0xb0: {  	[dreg:$0x2] =	wrdreg s2  }
0xb1: {  	[dreg:$0x3] =	wrdreg s19  }
0xb2: {  	[dreg:$0x4] =	wrdreg s4  }
0xb3: {  	[dreg:$0x5] =	wrdreg $0x9  }
0xb4: {  	_ =	task.clear_ibuf [dreg:s9], $0x6FFFF;
	_ =	strace $0x90000046  }
0xb5: {  	s29 =	simm.s32 $0x9;
	_ =	strace $0x80000048  }
0xb6: {  	_ =	swait.ge [sflag:s29], $0x1  }
0xb7: {  	[sflag:s29] =	ssyncadd.s32 $0xFFFFFFFF  }
0xb8: {  	_ =	strace $0x90000048  }
0xb9: {  	_ =	sfence  }
0xba: {  	s30 =	sld [smem:$0x0];
	_ =	sdelay $0x2  }
0xbb: {  	s31 =	sshll.u32 s1, $0xD;
	s1 =	sshrl.u32 s1, $0x2  }
0xbc: {  	s3 =	sand.u32 $0x4000, s31;
	s1 =	sadd.s32 s1, s30  }
0xbd: {  	s0 =	sor.u32 s3, s0;
	s1 =	sshll.u32 s1, $0x11  }
0xbe: {  	s0 =	sor.u32 s1, s0  }
0xbf: {  	s0 =	sadd.s32 $0x8F2B, s0  }
0xc0: {  	[sflag:s0] =	ssyncadd.remote.s32 $0x1  }
0xc1: {  	_ =	sfence.sel $0xFFFF  }
0xc2: {  	[dreg:$0x0] =	wrdreg $0xFFFFFFFF;
	(pc) =	sbr.abs _section_cstart, $3  }
0xc3: {  	[dreg:$0x1] =	wrdreg $0xFFFFFFFF  }
0xc4: {  	_ =	task.clear_ibuf [dreg:s9], $0x2FFFF;
	_ =	strace $0x9FFFFFFF  }
0xc5: {  	(tm) =	ssettm $0x7FFFFFFF  }
tec
execute0_lowered:
.L_overlay_start_1:
0x0: {  	(tag) =	ssettag $0x1  }
0x1: {  	v0 =	vimm.s32 $0x1380;
	vm1 =	vcmask $0x300  }
0x2: {  	vm2 =	vcmask $0x704;
	vm5 =	vcmask $0xB08;
	vm7 =	vcmask $0xF0C  }
0x3: {  	vm8 =	vcmask $0x1310;
	vm3 =	vcmask $0x1714;
	vm4 =	vcmask $0x1B18  }
0x4: {  	vm0 =	vmmov $0x1;
	v1 =	vimm.s32 $0x3380;
	v2 =	vimm.s32 $0x5380  }
0x5: {  	v3 =	vimm.s32 $0x7380;
	vm6 =	vcmask $0x1F1C;
	v0 =	vsel vm1, $0x0, v0  }
0x6: {  	v1 =	vsel vm1, $0x2000, v1;
	v2 =	vsel vm1, $0x4000, v2;
	v3 =	vsel vm1, $0x6000, v3  }
0x7: {  	vm1 =	vcmask $0x308;
	v0 =	vsel vm2, $0x80, v0;
	v1 =	vsel vm2, $0x2080, v1  }
0x8: {  	v2 =	vsel vm2, $0x4080, v2;
	v3 =	vsel vm2, $0x6080, v3;
	vm2 =	vcmask $0x70C  }
0x9: {  	v0 =	vsel vm5, $0x100, v0;
	v1 =	vsel vm5, $0x2100, v1;
	v2 =	vsel vm5, $0x4100, v2  }
0xa: {  	v3 =	vsel vm5, $0x6100, v3;
	vm5 =	vcmask $0x2320;
	v0 =	vsel vm7, $0x180, v0  }
0xb: {  	v1 =	vsel vm7, $0x2180, v1;
	v2 =	vsel vm7, $0x4180, v2;
	v3 =	vsel vm7, $0x6180, v3  }
0xc: {  	vm7 =	vcmask $0x2724;
	v0 =	vsel vm8, $0x200, v0;
	v1 =	vsel vm8, $0x2200, v1  }
0xd: {  	v2 =	vsel vm8, $0x4200, v2;
	v3 =	vsel vm8, $0x6200, v3;
	vm8 =	vcmask $0x2B28  }
0xe: {  	v0 =	vsel vm3, $0x280, v0;
	v1 =	vsel vm3, $0x2280, v1;
	v2 =	vsel vm3, $0x4280, v2  }
0xf: {  	v3 =	vsel vm3, $0x6280, v3;
	vm3 =	vcmask $0xB10;
	v0 =	vsel vm4, $0x300, v0  }
0x10: {  	s1 =	rddreg [dreg:$0x0];
	v1 =	vsel vm4, $0x2300, v1;
	v2 =	vsel vm4, $0x4300, v2;
	v3 =	vsel vm4, $0x6300, v3  }
0x11: {  	s0 =	rddreg [dreg:$0x1];
	vm4 =	vcmask $0xF14;
	v0 =	vsel vm6, $0x380, v0;
	v1 =	vsel vm6, $0x2380, v1  }
0x12: {  	s2 =	rddreg [dreg:$0x2];
	s3 =	srdreg.scid;
	v2 =	vsel vm6, $0x4380, v2;
	v3 =	vsel vm6, $0x6380, v3;
	vm6 =	vcmask $0x2F2C  }
0x13: {  	s4 =	stileid.u32;
	s7 =	simm.s32 $0x0;
	s9 =	simm.s32 $0x7A1400;
	v0 =	vsel vm5, $0x1000, v0;
	v1 =	vsel vm5, $0x3000, v1;
	v2 =	vsel vm5, $0x5000, v2  }
0x14: {  	s10 =	simm.s32 $0x200;
	s12 =	simm.s32 $0x2200;
	s14 =	simm.s32 $0x4200;
	v3 =	vsel vm5, $0x7000, v3;
	vm5 =	vcmask $0x1318;
	v0 =	vsel vm7, $0x1080, v0  }
0x15: {  	s16 =	simm.s32 $0x6200;
	s18 =	simm.s32 $0x8200;
	s20 =	simm.s32 $0xA200;
	v1 =	vsel vm7, $0x3080, v1;
	v2 =	vsel vm7, $0x5080, v2;
	v3 =	vsel vm7, $0x7080, v3  }
0x16: {  	s22 =	simm.s32 $0xC200;
	s24 =	simm.s32 $0xE200;
	s28 =	simm.s32 $0x10600;
	vm7 =	vcmask $0x3330;
	v0 =	vsel vm8, $0x1100, v0;
	v1 =	vsel vm8, $0x3100, v1  }
0x17: {  	s29 =	simm.s32 $0x2;
	s30 =	simm.s32 $0x3;
	s31 =	simm.s32 $0x4;
	v2 =	vsel vm8, $0x5100, v2;
	v3 =	vsel vm8, $0x7100, v3;
	v0 =	vsel vm6, $0x1180, v0  }
0x18: {  	s11 =	simm.s32 $0x8;
	s17 =	simm.s32 $0x0;
	s3 =	sand.u32 $0x1, s3;
	v1 =	vsel vm6, $0x3180, v1;
	v2 =	vsel vm6, $0x5180, v2;
	v3 =	vsel vm6, $0x7180, v3  }
0x19: {  	s5 =	sshll.u32 s4, $0xA;
	[smem:$0x7FF] =	sst s7;
	s7 =	simm.s32 $0x400;
	vm6 =	vcmask $0x171C;
	v4 =	vsel vm7, $0x1200, v0;
	v1 =	vsel vm7, $0x3200, v1  }
0x1a: {  	s6 =	sshll.u32 s3, $0x9;
	s3 =	ssub.s32 $0x2, s3;
	_ =	strace $0x80000047;
	v2 =	vsel vm7, $0x5200, v2;
	v3 =	vsel vm7, $0x7200, v3;
	vm7 =	vcmask $0x3734  }
.Ltmp0:
0x1b: {  	s4 =	sor.u32 s6, s5;
	s25 =	sshrl.u32 s3, $0x1;
	v0 =	vlaneseq.u32;
	v4 =	vsel vm7, $0x1280, v4;
	v5 =	vsel vm7, $0x3280, v1;
	(pc) =	sbr.rel .LBB2_1-.Ltmp0, $4  }
0x1c: {  	s26 =	sadd.s32 s2, s6;
	s6 =	simm.s32 $0x9;
	s2 =	simm.s32 $0x6;
	v6 =	vsel vm7, $0x5280, v2;
	v7 =	vsel vm7, $0x7280, v3;
	vm7 =	vcmask $0x3B38  }
0x1d: {  	s4 =	sshrl.u32 s4, $0x3;
	s3 =	ssub.s32 s3, s25;
	s5 =	sadd.s32 s5, s26;
	v1 =	vmul.u32 $0x80, v0;
	v2 =	vsel vm7, $0x1300, v4;
	v3 =	vsel vm7, $0x3300, v5  }
0x1e: {  	s25 =	simm.s32 $0xF200;
	s26 =	simm.s32 $0x1;
	s4 =	sadd.s32 s1, s4;
	v4 =	vsel vm7, $0x5300, v6;
	v5 =	vsel vm7, $0x7300, v7;
	vm7 =	vcmask $0x1B20  }
0x1f: {  	s8 =	smax.u32 s3, $0x1;
	s1 =	simm.s32 $0x5;
	s3 =	simm.s32 $0x7;
	v6 =	vor.u32 $0x800, v1;
	v7 =	vor.u32 $0x1000, v1;
	v8 =	vor.u32 $0x1800, v1  }
.LBB2_4:
0x20: {  	s17 =	sadd.s32 $0x1, s17  }
0x21: {  	p0 =	sne.s32 s17, s8  }
.Ltmp1:
0x22: {  	s13 =	simm.s32 $0x1000;
	s15 =	simm.s32 $0x20000;
	(pc) =	sbr.rel @!p0 .LBB2_5-.Ltmp1, $4  }
0x23: {  	[hbm4b:s5+s13] =	stream.strided.scatter [tilespmem:s28], [sflag:$0x9], $0x8000, s15, s13, $0x38;
	[tilespmem:$0x18600] =	vst v63  }
0x24: {  	_ =	swait.ge [sflag:s6], $0x8000  }
0x25: {  	[sflag:s6] =	ssyncset.done $0x0  }
0x26: {  	[sflag:s6] =	ssyncadd.s32 $0xFFFF8000  }
.LBB2_1:
0x27: {  	s13 =	simm.s32 $0x0  }
0x28: {  	[tilespmem:s13], [sflag:$0x9] =	stream.linear.gather [hbm4b:s4+s13], $0x200, $0x38;
	[tilespmem:$0x18600] =	vst v63  }
0x29: {  	_ =	swait.ge [sflag:s6], $0x200  }
0x2a: {  	[sflag:s6] =	ssyncset.done $0x0  }
0x2b: {  	[sflag:s6] =	ssyncadd.s32 $0xFFFFFE00  }
0x2c: {  	v9 =	vld [tilespmem:$0x0];
	_ =	sdelay $0x4  }
0x2d: {  	v9 =	vnsel vm0, $0x0, v9  }
0x2e: {  	(xrf0) =	vadd.scan.msk.s32 $0xffff, v9;
	_ =	sdelay $0x5  }
0x2f: {  	v9, _, _ =	vpop (xrf0)  }
0x30: {  	(v2sf) =	vpush v9, $0xF;
	_ =	sdelay $0xe  }
0x31: {  	s19 =	spop (v2sf)  }
0x32: {  	s21 =	sand.u32 $0x7F, s19  }
0x33: {  	s19 =	sand.u32 $0xFFFFF80, s19;
	v9 =	vmov s21  }
0x34: {  	s19 =	sadd.s32 s0, s19;
	[tilespmem:$0x10200] =	vst v9  }
0x35: {  	[tilespmem:s10], [sflag:$0x1] =	stream.strided.gather [hbm4b:s19+s7], $0x1000, s9, s7, $0x38;
	[tilespmem:$0x18600] =	vst v63  }
0x36: {  	s23 =	simm.s32 $0x1200;
	s19 =	sadd.s32 $0x3D0A00, s19  }
0x37: {  	[tilespmem:s23], [sflag:$0x1] =	stream.strided.gather [hbm4b:s19+s7], $0x1000, s9, s7, $0x38;
	[tilespmem:$0x18600] =	vst v63  }
0x38: {  	v9 =	vld [tilespmem:$0x0];
	_ =	sdelay $0x4  }
0x39: {  	v9 =	vsel vm1, $0x0, v9  }
0x3a: {  	(xrf0) =	vadd.scan.msk.s32 $0xffff, v9;
	_ =	sdelay $0x5  }
0x3b: {  	v9, _, _ =	vpop (xrf0)  }
0x3c: {  	(v2sf) =	vpush v9, $0xF;
	_ =	sdelay $0xe  }
0x3d: {  	s13 =	spop (v2sf)  }
0x3e: {  	s15 =	sand.u32 $0x7F, s13  }
0x3f: {  	s19 =	sand.u32 $0xFFFFF80, s13;
	v9 =	vmov s15  }
0x40: {  	s19 =	sadd.s32 s0, s19;
	[tilespmem:$0x10280] =	vst v9  }
0x41: {  	[tilespmem:s12], [sflag:$0x2] =	stream.strided.gather [hbm4b:s19+s7], $0x1000, s9, s7, $0x38;
	[tilespmem:$0x18600] =	vst v63  }
0x42: {  	s23 =	simm.s32 $0x3200;
	s19 =	sadd.s32 $0x3D0A00, s19  }
0x43: {  	[tilespmem:s23], [sflag:$0x2] =	stream.strided.gather [hbm4b:s19+s7], $0x1000, s9, s7, $0x38;
	[tilespmem:$0x18600] =	vst v63  }
0x44: {  	v9 =	vld [tilespmem:$0x0];
	_ =	sdelay $0x4  }
0x45: {  	v9 =	vsel vm2, $0x0, v9  }
0x46: {  	(xrf0) =	vadd.scan.msk.s32 $0xffff, v9;
	_ =	sdelay $0x5  }
0x47: {  	v9, _, _ =	vpop (xrf0)  }
0x48: {  	(v2sf) =	vpush v9, $0xF;
	_ =	sdelay $0xe  }
0x49: {  	s13 =	spop (v2sf)  }
0x4a: {  	s15 =	sand.u32 $0x7F, s13  }
0x4b: {  	s19 =	sand.u32 $0xFFFFF80, s13;
	v9 =	vmov s15  }
0x4c: {  	s19 =	sadd.s32 s0, s19;
	[tilespmem:$0x10300] =	vst v9  }
0x4d: {  	[tilespmem:s14], [sflag:$0x3] =	stream.strided.gather [hbm4b:s19+s7], $0x1000, s9, s7, $0x38;
	[tilespmem:$0x18600] =	vst v63  }
0x4e: {  	s23 =	simm.s32 $0x5200;
	s19 =	sadd.s32 $0x3D0A00, s19  }
0x4f: {  	[tilespmem:s23], [sflag:$0x3] =	stream.strided.gather [hbm4b:s19+s7], $0x1000, s9, s7, $0x38;
	[tilespmem:$0x18600] =	vst v63  }
0x50: {  	v9 =	vld [tilespmem:$0x0];
	_ =	sdelay $0x4  }
0x51: {  	v9 =	vsel vm3, $0x0, v9  }
0x52: {  	(xrf0) =	vadd.scan.msk.s32 $0xffff, v9;
	_ =	sdelay $0x5  }
0x53: {  	v9, _, _ =	vpop (xrf0)  }
0x54: {  	(v2sf) =	vpush v9, $0xF;
	_ =	sdelay $0xe  }
0x55: {  	s13 =	spop (v2sf)  }
0x56: {  	s15 =	sand.u32 $0x7F, s13  }
0x57: {  	s19 =	sand.u32 $0xFFFFF80, s13;
	v9 =	vmov s15  }
0x58: {  	s19 =	sadd.s32 s0, s19;
	[tilespmem:$0x10380] =	vst v9  }
0x59: {  	[tilespmem:s16], [sflag:$0x4] =	stream.strided.gather [hbm4b:s19+s7], $0x1000, s9, s7, $0x38;
	[tilespmem:$0x18600] =	vst v63  }
0x5a: {  	s23 =	simm.s32 $0x7200;
	s19 =	sadd.s32 $0x3D0A00, s19  }
0x5b: {  	[tilespmem:s23], [sflag:$0x4] =	stream.strided.gather [hbm4b:s19+s7], $0x1000, s9, s7, $0x38;
	[tilespmem:$0x18600] =	vst v63  }
0x5c: {  	v9 =	vld [tilespmem:$0x0];
	_ =	sdelay $0x4  }
0x5d: {  	v9 =	vsel vm4, $0x0, v9  }
0x5e: {  	(xrf0) =	vadd.scan.msk.s32 $0xffff, v9;
	_ =	sdelay $0x5  }
0x5f: {  	v9, _, _ =	vpop (xrf0)  }
0x60: {  	(v2sf) =	vpush v9, $0xF;
	_ =	sdelay $0xe  }
0x61: {  	s13 =	spop (v2sf)  }
0x62: {  	s15 =	sand.u32 $0x7F, s13  }
0x63: {  	s19 =	sand.u32 $0xFFFFF80, s13;
	v9 =	vmov s15  }
0x64: {  	s19 =	sadd.s32 s0, s19;
	[tilespmem:$0x10400] =	vst v9  }
0x65: {  	[tilespmem:s18], [sflag:$0x5] =	stream.strided.gather [hbm4b:s19+s7], $0x1000, s9, s7, $0x38;
	[tilespmem:$0x18600] =	vst v63  }
0x66: {  	s23 =	simm.s32 $0x9200;
	s19 =	sadd.s32 $0x3D0A00, s19  }
0x67: {  	[tilespmem:s23], [sflag:$0x5] =	stream.strided.gather [hbm4b:s19+s7], $0x1000, s9, s7, $0x38;
	[tilespmem:$0x18600] =	vst v63  }
0x68: {  	v9 =	vld [tilespmem:$0x0];
	_ =	sdelay $0x4  }
0x69: {  	v9 =	vsel vm5, $0x0, v9  }
0x6a: {  	(xrf0) =	vadd.scan.msk.s32 $0xffff, v9;
	_ =	sdelay $0x5  }
0x6b: {  	v9, _, _ =	vpop (xrf0)  }
0x6c: {  	(v2sf) =	vpush v9, $0xF;
	_ =	sdelay $0xe  }
0x6d: {  	s13 =	spop (v2sf)  }
0x6e: {  	s15 =	sand.u32 $0x7F, s13  }
0x6f: {  	s19 =	sand.u32 $0xFFFFF80, s13;
	v9 =	vmov s15  }
0x70: {  	s19 =	sadd.s32 s0, s19;
	[tilespmem:$0x10480] =	vst v9  }
0x71: {  	[tilespmem:s20], [sflag:$0x6] =	stream.strided.gather [hbm4b:s19+s7], $0x1000, s9, s7, $0x38;
	[tilespmem:$0x18600] =	vst v63  }
0x72: {  	s23 =	simm.s32 $0xB200;
	s19 =	sadd.s32 $0x3D0A00, s19  }
0x73: {  	[tilespmem:s23], [sflag:$0x6] =	stream.strided.gather [hbm4b:s19+s7], $0x1000, s9, s7, $0x38;
	[tilespmem:$0x18600] =	vst v63  }
0x74: {  	v9 =	vld [tilespmem:$0x0];
	_ =	sdelay $0x4  }
0x75: {  	v9 =	vsel vm6, $0x0, v9  }
0x76: {  	(xrf0) =	vadd.scan.msk.s32 $0xffff, v9;
	_ =	sdelay $0x5  }
0x77: {  	v9, _, _ =	vpop (xrf0)  }
0x78: {  	(v2sf) =	vpush v9, $0xF;
	_ =	sdelay $0xe  }
0x79: {  	s13 =	spop (v2sf)  }
0x7a: {  	s15 =	sand.u32 $0x7F, s13  }
0x7b: {  	s19 =	sand.u32 $0xFFFFF80, s13;
	v9 =	vmov s15  }
0x7c: {  	s19 =	sadd.s32 s0, s19;
	[tilespmem:$0x10500] =	vst v9  }
0x7d: {  	[tilespmem:s22], [sflag:$0x7] =	stream.strided.gather [hbm4b:s19+s7], $0x1000, s9, s7, $0x38;
	[tilespmem:$0x18600] =	vst v63  }
0x7e: {  	s23 =	simm.s32 $0xD200;
	s19 =	sadd.s32 $0x3D0A00, s19  }
0x7f: {  	[tilespmem:s23], [sflag:$0x7] =	stream.strided.gather [hbm4b:s19+s7], $0x1000, s9, s7, $0x38;
	[tilespmem:$0x18600] =	vst v63  }
0x80: {  	v9 =	vld [tilespmem:$0x0];
	_ =	sdelay $0x4  }
0x81: {  	v9 =	vsel vm7, $0x0, v9  }
0x82: {  	(xrf0) =	vadd.scan.msk.s32 $0xffff, v9;
	_ =	sdelay $0x5  }
0x83: {  	v9, _, _ =	vpop (xrf0)  }
0x84: {  	(v2sf) =	vpush v9, $0xF;
	_ =	sdelay $0xe  }
0x85: {  	s15 =	spop (v2sf)  }
0x86: {  	s23 =	sand.u32 $0x7F, s15  }
0x87: {  	s19 =	sand.u32 $0xFFFFF80, s15;
	v9 =	vmov s23  }
0x88: {  	s19 =	sadd.s32 s0, s19;
	[tilespmem:$0x10580] =	vst v9  }
0x89: {  	[tilespmem:s24], [sflag:$0x8] =	stream.strided.gather [hbm4b:s19+s7], $0x1000, s9, s7, $0x38;
	[tilespmem:$0x18600] =	vst v63  }
0x8a: {  	s19 =	sadd.s32 $0x3D0A00, s19  }
0x8b: {  	[tilespmem:s25], [sflag:$0x8] =	stream.strided.gather [hbm4b:s19+s7], $0x1000, s9, s7, $0x38;
	[tilespmem:$0x18600] =	vst v63  }
0x8c: {  	s19 =	simm.s32 $0x0  }
.LBB2_2:
0x8d: {  	_ =	swait.ge [sflag:s26], $0x2000  }
0x8e: {  	[sflag:s26] =	ssyncset.done $0x0  }
0x8f: {  	[sflag:s26] =	ssyncadd.s32 $0xFFFFE000  }
0x90: {  	v9 =	vld [tilespmem:$0x10200];
	_ =	sdelay $0x4  }
0x91: {  	v10 =	vadd.s32 v1, v9  }
0x92: {  	v11 =	vmov s19  }
0x93: {  	v12 =	vshll.u32 v11, $0x3  }
0x94: {  	v11 =	vand.u32 $0x78, v11;
	v12 =	vand.u32 $0xC00, v12  }
0x95: {  	v11 =	vor.u32 v11, v12  }
0x96: {  	v12 =	vor.u32 v2, v11;
	v10 =	vld.idx.msk [tilespmem:v10+s10+$0x0], $0xffff  }
0x97: {  	v13 =	vadd.s32 v6, v9;
	_ =	sdelay $0x3  }
0x98: {  	[tilespmem:v12+s28+$0x0] =	vst.idx.msk $0xffff, v10  }
0x99: {  	v21 =	vor.u32 v3, v11;
	v10 =	vld.idx.msk [tilespmem:v13+s10+$0x0], $0xffff  }
0x9a: {  	v22 =	vadd.s32 v7, v9;
	_ =	sdelay $0x3  }
0x9b: {  	[tilespmem:v21+s28+$0x0] =	vst.idx.msk $0xffff, v10  }
0x9c: {  	v23 =	vor.u32 v4, v11;
	v10 =	vld.idx.msk [tilespmem:v22+s10+$0x0], $0xffff  }
0x9d: {  	v9 =	vadd.s32 v8, v9;
	_ =	sdelay $0x3  }
0x9e: {  	[tilespmem:v23+s28+$0x0] =	vst.idx.msk $0xffff, v10  }
0x9f: {  	v10 =	vor.u32 v5, v11;
	v9 =	vld.idx.msk [tilespmem:v9+s10+$0x0], $0xffff;
	_ =	sdelay $0x2  }
0xa0: {  	p0 =	seq.s32 s19, $0x1F8  }
0xa1: {  	s21 =	sadd.s32 @!p0 $0x8, s19  }
0xa2: {  	s23 =	sand.u32 @!p0 $0x3F0, s21;
	[tilespmem:v10+s28+$0x0] =	vst.idx.msk $0xffff, v9  }
0xa3: {  	v10 =	vld @!p0 [tilespmem:s23+$0x0];
	_ =	sdelay $0x1  }
0xa4: {  	s21 =	sand.u32 @!p0 $0x8, s21  }
0xa5: {  	v11 =	vmov @!p0 s21;
	v9 =	vlaneseq.u32 @!p0  }
0xa6: {  	vm8 =	veq.s32 @!p0 v11, v9  }
0xa7: {  	v10 =	vnsel @!p0 vm8, $0x0, v10  }
0xa8: {  	(xrf0) =	vadd.scan.msk.s32 @!p0 $0xffff, v10;
	_ =	sdelay $0x5  }
0xa9: {  	v10, _, _ =	vpop @!p0 (xrf0)  }
0xaa: {  	(v2sf) =	vpush @!p0 v10, $0xF;
	_ =	sdelay $0xe  }
0xab: {  	s21 =	spop @!p0 (v2sf)  }
0xac: {  	s23 =	sand.u32 @!p0 $0x7F, s21  }
0xad: {  	s15 =	simm.s32 @!p0 $0x200;
	s21 =	sand.u32 @!p0 $0xFFFFF80, s21;
	v10 =	vmov @!p0 s23  }
0xae: {  	s13 =	sadd.s32 @!p0 s0, s21;
	s21 =	simm.s32 @!p0 $0x400;
	s23 =	simm.s32 @!p0 $0x7A1400;
	[tilespmem:$0x10200] =	vst @!p0 v10  }
0xaf: {  	[tilespmem:s15], [sflag:$0x1] =	stream.strided.gather @!p0 [hbm4b:s13+s21], $0x1000, s23, s21, $0x38;
	[tilespmem:$0x18600] =	vst v63  }
0xb0: {  	s13 =	sadd.s32 @!p0 $0x3D0A00, s13;
	s15 =	simm.s32 @!p0 $0x1200  }
0xb1: {  	[tilespmem:s15], [sflag:$0x1] =	stream.strided.gather @!p0 [hbm4b:s13+s21], $0x1000, s23, s21, $0x38;
	[tilespmem:$0x18600] =	vst v63  }
0xb2: {  	_ =	swait.ge [sflag:s29], $0x2000  }
0xb3: {  	[sflag:s29] =	ssyncset.done $0x0  }
0xb4: {  	[sflag:s29] =	ssyncadd.s32 $0xFFFFE000  }
0xb5: {  	v10 =	vld [tilespmem:$0x10280];
	_ =	sdelay $0x4  }
0xb6: {  	s15 =	sadd.s32 $0x1, s19;
	v11 =	vadd.s32 v1, v10  }
0xb7: {  	v24 =	vmov s15  }
0xb8: {  	v25 =	vshll.u32 v24, $0x3  }
0xb9: {  	v12 =	vand.u32 $0x79, v24;
	v13 =	vand.u32 $0xC00, v25  }
0xba: {  	v12 =	vor.u32 v12, v13  }
0xbb: {  	v13 =	vor.u32 v2, v12;
	v11 =	vld.idx.msk [tilespmem:v11+s12+$0x0], $0xffff  }
0xbc: {  	v14 =	vadd.s32 v6, v10;
	_ =	sdelay $0x3  }
0xbd: {  	[tilespmem:v13+s28+$0x0] =	vst.idx.msk $0xffff, v11  }
0xbe: {  	v26 =	vor.u32 v3, v12;
	v11 =	vld.idx.msk [tilespmem:v14+s12+$0x0], $0xffff  }
0xbf: {  	v27 =	vadd.s32 v7, v10;
	_ =	sdelay $0x3  }
0xc0: {  	[tilespmem:v26+s28+$0x0] =	vst.idx.msk $0xffff, v11  }
0xc1: {  	v28 =	vor.u32 v4, v12;
	v11 =	vld.idx.msk [tilespmem:v27+s12+$0x0], $0xffff  }
0xc2: {  	v10 =	vadd.s32 v8, v10;
	_ =	sdelay $0x3  }
0xc3: {  	[tilespmem:v28+s28+$0x0] =	vst.idx.msk $0xffff, v11  }
0xc4: {  	v11 =	vor.u32 v5, v12;
	v10 =	vld.idx.msk [tilespmem:v10+s12+$0x0], $0xffff;
	_ =	sdelay $0x3  }
0xc5: {  	s13 =	sadd.s32 @!p0 $0x9, s19  }
0xc6: {  	s15 =	sand.u32 @!p0 $0x3F0, s13;
	[tilespmem:v11+s28+$0x0] =	vst.idx.msk $0xffff, v10  }
0xc7: {  	v10 =	vld @!p0 [tilespmem:s15+$0x0];
	_ =	sdelay $0x1  }
0xc8: {  	s13 =	sand.u32 @!p0 $0x9, s13  }
0xc9: {  	v11 =	vmov @!p0 s13  }
0xca: {  	vm8 =	veq.s32 @!p0 v11, v9  }
0xcb: {  	v10 =	vnsel @!p0 vm8, $0x0, v10  }
0xcc: {  	(xrf0) =	vadd.scan.msk.s32 @!p0 $0xffff, v10;
	_ =	sdelay $0x5  }
0xcd: {  	v10, _, _ =	vpop @!p0 (xrf0)  }
0xce: {  	(v2sf) =	vpush @!p0 v10, $0xF;
	_ =	sdelay $0xe  }
0xcf: {  	s13 =	spop @!p0 (v2sf)  }
0xd0: {  	s15 =	sand.u32 @!p0 $0x7F, s13  }
0xd1: {  	s13 =	sand.u32 @!p0 $0xFFFFF80, s13;
	v10 =	vmov @!p0 s15  }
0xd2: {  	s13 =	sadd.s32 @!p0 s0, s13;
	s15 =	simm.s32 @!p0 $0x2200;
	[tilespmem:$0x10280] =	vst @!p0 v10  }
0xd3: {  	[tilespmem:s15], [sflag:$0x2] =	stream.strided.gather @!p0 [hbm4b:s13+s21], $0x1000, s23, s21, $0x38;
	[tilespmem:$0x18600] =	vst v63  }
0xd4: {  	s13 =	sadd.s32 @!p0 $0x3D0A00, s13;
	s15 =	simm.s32 @!p0 $0x3200  }
0xd5: {  	[tilespmem:s15], [sflag:$0x2] =	stream.strided.gather @!p0 [hbm4b:s13+s21], $0x1000, s23, s21, $0x38;
	[tilespmem:$0x18600] =	vst v63  }
0xd6: {  	_ =	swait.ge [sflag:s30], $0x2000  }
0xd7: {  	[sflag:s30] =	ssyncset.done $0x0  }
0xd8: {  	[sflag:s30] =	ssyncadd.s32 $0xFFFFE000  }
0xd9: {  	v10 =	vld [tilespmem:$0x10300];
	_ =	sdelay $0x4  }
0xda: {  	s15 =	sadd.s32 $0x2, s19;
	v11 =	vadd.s32 v1, v10  }
0xdb: {  	v29 =	vmov s15  }
0xdc: {  	v30 =	vshll.u32 v29, $0x3  }
0xdd: {  	v12 =	vand.u32 $0x7A, v29;
	v13 =	vand.u32 $0xC00, v30  }
0xde: {  	v12 =	vor.u32 v12, v13  }
0xdf: {  	v13 =	vor.u32 v2, v12;
	v11 =	vld.idx.msk [tilespmem:v11+s14+$0x0], $0xffff  }
0xe0: {  	v31 =	vadd.s32 v6, v10;
	_ =	sdelay $0x3  }
0xe1: {  	[tilespmem:v13+s28+$0x0] =	vst.idx.msk $0xffff, v11  }
0xe2: {  	v32 =	vor.u32 v3, v12;
	v11 =	vld.idx.msk [tilespmem:v31+s14+$0x0], $0xffff  }
0xe3: {  	v33 =	vadd.s32 v7, v10;
	_ =	sdelay $0x3  }
0xe4: {  	[tilespmem:v32+s28+$0x0] =	vst.idx.msk $0xffff, v11  }
0xe5: {  	v34 =	vor.u32 v4, v12;
	v11 =	vld.idx.msk [tilespmem:v33+s14+$0x0], $0xffff  }
0xe6: {  	v10 =	vadd.s32 v8, v10;
	_ =	sdelay $0x3  }
0xe7: {  	[tilespmem:v34+s28+$0x0] =	vst.idx.msk $0xffff, v11  }
0xe8: {  	v11 =	vor.u32 v5, v12;
	v10 =	vld.idx.msk [tilespmem:v10+s14+$0x0], $0xffff;
	_ =	sdelay $0x3  }
0xe9: {  	s13 =	sadd.s32 @!p0 $0xA, s19  }
0xea: {  	s15 =	sand.u32 @!p0 $0x3F0, s13;
	[tilespmem:v11+s28+$0x0] =	vst.idx.msk $0xffff, v10  }
0xeb: {  	v10 =	vld @!p0 [tilespmem:s15+$0x0];
	_ =	sdelay $0x1  }
0xec: {  	s13 =	sand.u32 @!p0 $0xA, s13  }
0xed: {  	v11 =	vmov @!p0 s13  }
0xee: {  	vm8 =	veq.s32 @!p0 v11, v9  }
0xef: {  	v10 =	vnsel @!p0 vm8, $0x0, v10  }
0xf0: {  	(xrf0) =	vadd.scan.msk.s32 @!p0 $0xffff, v10;
	_ =	sdelay $0x5  }
0xf1: {  	v10, _, _ =	vpop @!p0 (xrf0)  }
0xf2: {  	(v2sf) =	vpush @!p0 v10, $0xF;
	_ =	sdelay $0xe  }
0xf3: {  	s13 =	spop @!p0 (v2sf)  }
0xf4: {  	s15 =	sand.u32 @!p0 $0x7F, s13  }
0xf5: {  	s13 =	sand.u32 @!p0 $0xFFFFF80, s13;
	v10 =	vmov @!p0 s15  }
0xf6: {  	s13 =	sadd.s32 @!p0 s0, s13;
	s15 =	simm.s32 @!p0 $0x4200;
	[tilespmem:$0x10300] =	vst @!p0 v10  }
0xf7: {  	[tilespmem:s15], [sflag:$0x3] =	stream.strided.gather @!p0 [hbm4b:s13+s21], $0x1000, s23, s21, $0x38;
	[tilespmem:$0x18600] =	vst v63  }
0xf8: {  	s13 =	sadd.s32 @!p0 $0x3D0A00, s13;
	s15 =	simm.s32 @!p0 $0x5200  }
0xf9: {  	[tilespmem:s15], [sflag:$0x3] =	stream.strided.gather @!p0 [hbm4b:s13+s21], $0x1000, s23, s21, $0x38;
	[tilespmem:$0x18600] =	vst v63  }
0xfa: {  	_ =	swait.ge [sflag:s31], $0x2000  }
0xfb: {  	[sflag:s31] =	ssyncset.done $0x0  }
0xfc: {  	[sflag:s31] =	ssyncadd.s32 $0xFFFFE000  }
0xfd: {  	v10 =	vld [tilespmem:$0x10380];
	_ =	sdelay $0x4  }
0xfe: {  	s15 =	sadd.s32 $0x3, s19;
	v11 =	vadd.s32 v1, v10  }
0xff: {  	v35 =	vmov s15  }
0x100: {  	v36 =	vshll.u32 v35, $0x3  }
0x101: {  	v12 =	vand.u32 $0x7B, v35;
	v13 =	vand.u32 $0xC00, v36  }
0x102: {  	v12 =	vor.u32 v12, v13  }
0x103: {  	v13 =	vor.u32 v2, v12;
	v11 =	vld.idx.msk [tilespmem:v11+s16+$0x0], $0xffff  }
0x104: {  	v37 =	vadd.s32 v6, v10;
	_ =	sdelay $0x3  }
0x105: {  	[tilespmem:v13+s28+$0x0] =	vst.idx.msk $0xffff, v11  }
0x106: {  	v38 =	vor.u32 v3, v12;
	v11 =	vld.idx.msk [tilespmem:v37+s16+$0x0], $0xffff  }
0x107: {  	v39 =	vadd.s32 v7, v10;
	_ =	sdelay $0x3  }
0x108: {  	[tilespmem:v38+s28+$0x0] =	vst.idx.msk $0xffff, v11  }
0x109: {  	v40 =	vor.u32 v4, v12;
	v11 =	vld.idx.msk [tilespmem:v39+s16+$0x0], $0xffff  }
0x10a: {  	v10 =	vadd.s32 v8, v10;
	_ =	sdelay $0x3  }
0x10b: {  	[tilespmem:v40+s28+$0x0] =	vst.idx.msk $0xffff, v11  }
0x10c: {  	v11 =	vor.u32 v5, v12;
	v10 =	vld.idx.msk [tilespmem:v10+s16+$0x0], $0xffff;
	_ =	sdelay $0x3  }
0x10d: {  	s13 =	sadd.s32 @!p0 $0xB, s19  }
0x10e: {  	s15 =	sand.u32 @!p0 $0x3F0, s13;
	[tilespmem:v11+s28+$0x0] =	vst.idx.msk $0xffff, v10  }
0x10f: {  	v10 =	vld @!p0 [tilespmem:s15+$0x0];
	_ =	sdelay $0x1  }
0x110: {  	s13 =	sand.u32 @!p0 $0xB, s13  }
0x111: {  	v11 =	vmov @!p0 s13  }
0x112: {  	vm8 =	veq.s32 @!p0 v11, v9  }
0x113: {  	v10 =	vnsel @!p0 vm8, $0x0, v10  }
0x114: {  	(xrf0) =	vadd.scan.msk.s32 @!p0 $0xffff, v10;
	_ =	sdelay $0x5  }
0x115: {  	v10, _, _ =	vpop @!p0 (xrf0)  }
0x116: {  	(v2sf) =	vpush @!p0 v10, $0xF;
	_ =	sdelay $0xe  }
0x117: {  	s13 =	spop @!p0 (v2sf)  }
0x118: {  	s15 =	sand.u32 @!p0 $0x7F, s13  }
0x119: {  	s13 =	sand.u32 @!p0 $0xFFFFF80, s13;
	v10 =	vmov @!p0 s15  }
0x11a: {  	s13 =	sadd.s32 @!p0 s0, s13;
	s15 =	simm.s32 @!p0 $0x6200;
	[tilespmem:$0x10380] =	vst @!p0 v10  }
0x11b: {  	[tilespmem:s15], [sflag:$0x4] =	stream.strided.gather @!p0 [hbm4b:s13+s21], $0x1000, s23, s21, $0x38;
	[tilespmem:$0x18600] =	vst v63  }
0x11c: {  	s13 =	sadd.s32 @!p0 $0x3D0A00, s13;
	s15 =	simm.s32 @!p0 $0x7200  }
0x11d: {  	[tilespmem:s15], [sflag:$0x4] =	stream.strided.gather @!p0 [hbm4b:s13+s21], $0x1000, s23, s21, $0x38;
	[tilespmem:$0x18600] =	vst v63  }
0x11e: {  	_ =	swait.ge [sflag:s1], $0x2000  }
0x11f: {  	[sflag:s1] =	ssyncset.done $0x0  }
0x120: {  	[sflag:s1] =	ssyncadd.s32 $0xFFFFE000  }
0x121: {  	v10 =	vld [tilespmem:$0x10400];
	_ =	sdelay $0x4  }
0x122: {  	s15 =	sadd.s32 $0x4, s19;
	v11 =	vadd.s32 v1, v10  }
0x123: {  	v41 =	vmov s15  }
0x124: {  	v42 =	vshll.u32 v41, $0x3  }
0x125: {  	v12 =	vand.u32 $0x7C, v41;
	v13 =	vand.u32 $0xC00, v42  }
0x126: {  	v12 =	vor.u32 v12, v13  }
0x127: {  	v13 =	vor.u32 v2, v12;
	v11 =	vld.idx.msk [tilespmem:v11+s18+$0x0], $0xffff  }
0x128: {  	v43 =	vadd.s32 v6, v10;
	_ =	sdelay $0x3  }
0x129: {  	[tilespmem:v13+s28+$0x0] =	vst.idx.msk $0xffff, v11  }
0x12a: {  	v44 =	vor.u32 v3, v12;
	v11 =	vld.idx.msk [tilespmem:v43+s18+$0x0], $0xffff  }
0x12b: {  	v45 =	vadd.s32 v7, v10;
	_ =	sdelay $0x3  }
0x12c: {  	[tilespmem:v44+s28+$0x0] =	vst.idx.msk $0xffff, v11  }
0x12d: {  	v46 =	vor.u32 v4, v12;
	v11 =	vld.idx.msk [tilespmem:v45+s18+$0x0], $0xffff  }
0x12e: {  	v10 =	vadd.s32 v8, v10;
	_ =	sdelay $0x3  }
0x12f: {  	[tilespmem:v46+s28+$0x0] =	vst.idx.msk $0xffff, v11  }
0x130: {  	v11 =	vor.u32 v5, v12;
	v10 =	vld.idx.msk [tilespmem:v10+s18+$0x0], $0xffff;
	_ =	sdelay $0x3  }
0x131: {  	s13 =	sadd.s32 @!p0 $0xC, s19  }
0x132: {  	s15 =	sand.u32 @!p0 $0x3F0, s13;
	[tilespmem:v11+s28+$0x0] =	vst.idx.msk $0xffff, v10  }
0x133: {  	v10 =	vld @!p0 [tilespmem:s15+$0x0];
	_ =	sdelay $0x1  }
0x134: {  	s13 =	sand.u32 @!p0 $0xC, s13  }
0x135: {  	v11 =	vmov @!p0 s13  }
0x136: {  	vm8 =	veq.s32 @!p0 v11, v9  }
0x137: {  	v10 =	vnsel @!p0 vm8, $0x0, v10  }
0x138: {  	(xrf0) =	vadd.scan.msk.s32 @!p0 $0xffff, v10;
	_ =	sdelay $0x5  }
0x139: {  	v10, _, _ =	vpop @!p0 (xrf0)  }
0x13a: {  	(v2sf) =	vpush @!p0 v10, $0xF;
	_ =	sdelay $0xe  }
0x13b: {  	s13 =	spop @!p0 (v2sf)  }
0x13c: {  	s15 =	sand.u32 @!p0 $0x7F, s13  }
0x13d: {  	s13 =	sand.u32 @!p0 $0xFFFFF80, s13;
	v10 =	vmov @!p0 s15  }
0x13e: {  	s13 =	sadd.s32 @!p0 s0, s13;
	s15 =	simm.s32 @!p0 $0x8200;
	[tilespmem:$0x10400] =	vst @!p0 v10  }
0x13f: {  	[tilespmem:s15], [sflag:$0x5] =	stream.strided.gather @!p0 [hbm4b:s13+s21], $0x1000, s23, s21, $0x38;
	[tilespmem:$0x18600] =	vst v63  }
0x140: {  	s13 =	sadd.s32 @!p0 $0x3D0A00, s13;
	s15 =	simm.s32 @!p0 $0x9200  }
0x141: {  	[tilespmem:s15], [sflag:$0x5] =	stream.strided.gather @!p0 [hbm4b:s13+s21], $0x1000, s23, s21, $0x38;
	[tilespmem:$0x18600] =	vst v63  }
0x142: {  	_ =	swait.ge [sflag:s2], $0x2000  }
0x143: {  	[sflag:s2] =	ssyncset.done $0x0  }
0x144: {  	[sflag:s2] =	ssyncadd.s32 $0xFFFFE000  }
0x145: {  	v10 =	vld [tilespmem:$0x10480];
	_ =	sdelay $0x4  }
0x146: {  	s15 =	sadd.s32 $0x5, s19;
	v11 =	vadd.s32 v1, v10  }
0x147: {  	v47 =	vmov s15  }
0x148: {  	v48 =	vshll.u32 v47, $0x3  }
0x149: {  	v12 =	vand.u32 $0x7D, v47;
	v13 =	vand.u32 $0xC00, v48  }
0x14a: {  	v12 =	vor.u32 v12, v13  }
0x14b: {  	v13 =	vor.u32 v2, v12;
	v11 =	vld.idx.msk [tilespmem:v11+s20+$0x0], $0xffff  }
0x14c: {  	v49 =	vadd.s32 v6, v10;
	_ =	sdelay $0x3  }
0x14d: {  	[tilespmem:v13+s28+$0x0] =	vst.idx.msk $0xffff, v11  }
0x14e: {  	v50 =	vor.u32 v3, v12;
	v11 =	vld.idx.msk [tilespmem:v49+s20+$0x0], $0xffff  }
0x14f: {  	v51 =	vadd.s32 v7, v10;
	_ =	sdelay $0x3  }
0x150: {  	[tilespmem:v50+s28+$0x0] =	vst.idx.msk $0xffff, v11  }
0x151: {  	v52 =	vor.u32 v4, v12;
	v11 =	vld.idx.msk [tilespmem:v51+s20+$0x0], $0xffff  }
0x152: {  	v10 =	vadd.s32 v8, v10;
	_ =	sdelay $0x3  }
0x153: {  	[tilespmem:v52+s28+$0x0] =	vst.idx.msk $0xffff, v11  }
0x154: {  	v11 =	vor.u32 v5, v12;
	v10 =	vld.idx.msk [tilespmem:v10+s20+$0x0], $0xffff;
	_ =	sdelay $0x3  }
0x155: {  	s13 =	sadd.s32 @!p0 $0xD, s19  }
0x156: {  	s15 =	sand.u32 @!p0 $0x3F0, s13;
	[tilespmem:v11+s28+$0x0] =	vst.idx.msk $0xffff, v10  }
0x157: {  	v10 =	vld @!p0 [tilespmem:s15+$0x0];
	_ =	sdelay $0x1  }
0x158: {  	s13 =	sand.u32 @!p0 $0xD, s13  }
0x159: {  	v11 =	vmov @!p0 s13  }
0x15a: {  	vm8 =	veq.s32 @!p0 v11, v9  }
0x15b: {  	v10 =	vnsel @!p0 vm8, $0x0, v10  }
0x15c: {  	(xrf0) =	vadd.scan.msk.s32 @!p0 $0xffff, v10;
	_ =	sdelay $0x5  }
0x15d: {  	v10, _, _ =	vpop @!p0 (xrf0)  }
0x15e: {  	(v2sf) =	vpush @!p0 v10, $0xF;
	_ =	sdelay $0xe  }
0x15f: {  	s13 =	spop @!p0 (v2sf)  }
0x160: {  	s15 =	sand.u32 @!p0 $0x7F, s13  }
0x161: {  	s13 =	sand.u32 @!p0 $0xFFFFF80, s13;
	v10 =	vmov @!p0 s15  }
0x162: {  	s13 =	sadd.s32 @!p0 s0, s13;
	s15 =	simm.s32 @!p0 $0xA200;
	[tilespmem:$0x10480] =	vst @!p0 v10  }
0x163: {  	[tilespmem:s15], [sflag:$0x6] =	stream.strided.gather @!p0 [hbm4b:s13+s21], $0x1000, s23, s21, $0x38;
	[tilespmem:$0x18600] =	vst v63  }
0x164: {  	s13 =	sadd.s32 @!p0 $0x3D0A00, s13;
	s15 =	simm.s32 @!p0 $0xB200  }
0x165: {  	[tilespmem:s15], [sflag:$0x6] =	stream.strided.gather @!p0 [hbm4b:s13+s21], $0x1000, s23, s21, $0x38;
	[tilespmem:$0x18600] =	vst v63  }
0x166: {  	_ =	swait.ge [sflag:s3], $0x2000  }
0x167: {  	[sflag:s3] =	ssyncset.done $0x0  }
0x168: {  	[sflag:s3] =	ssyncadd.s32 $0xFFFFE000  }
0x169: {  	v10 =	vld [tilespmem:$0x10500];
	_ =	sdelay $0x4  }
0x16a: {  	s15 =	sadd.s32 $0x6, s19;
	v11 =	vadd.s32 v1, v10  }
0x16b: {  	v53 =	vmov s15  }
0x16c: {  	v54 =	vshll.u32 v53, $0x3  }
0x16d: {  	v12 =	vand.u32 $0x7E, v53;
	v13 =	vand.u32 $0xC00, v54  }
0x16e: {  	v12 =	vor.u32 v12, v13  }
0x16f: {  	v13 =	vor.u32 v2, v12;
	v11 =	vld.idx.msk [tilespmem:v11+s22+$0x0], $0xffff  }
0x170: {  	v55 =	vadd.s32 v6, v10;
	_ =	sdelay $0x3  }
0x171: {  	[tilespmem:v13+s28+$0x0] =	vst.idx.msk $0xffff, v11  }
0x172: {  	v56 =	vor.u32 v3, v12;
	v11 =	vld.idx.msk [tilespmem:v55+s22+$0x0], $0xffff  }
0x173: {  	v57 =	vadd.s32 v7, v10;
	_ =	sdelay $0x3  }
0x174: {  	[tilespmem:v56+s28+$0x0] =	vst.idx.msk $0xffff, v11  }
0x175: {  	v58 =	vor.u32 v4, v12;
	v11 =	vld.idx.msk [tilespmem:v57+s22+$0x0], $0xffff  }
0x176: {  	v10 =	vadd.s32 v8, v10;
	_ =	sdelay $0x3  }
0x177: {  	[tilespmem:v58+s28+$0x0] =	vst.idx.msk $0xffff, v11  }
0x178: {  	v11 =	vor.u32 v5, v12;
	v10 =	vld.idx.msk [tilespmem:v10+s22+$0x0], $0xffff;
	_ =	sdelay $0x3  }
0x179: {  	s13 =	sadd.s32 @!p0 $0xE, s19  }
0x17a: {  	s15 =	sand.u32 @!p0 $0x3F0, s13;
	[tilespmem:v11+s28+$0x0] =	vst.idx.msk $0xffff, v10  }
0x17b: {  	v10 =	vld @!p0 [tilespmem:s15+$0x0];
	_ =	sdelay $0x1  }
0x17c: {  	s13 =	sand.u32 @!p0 $0xE, s13  }
0x17d: {  	v11 =	vmov @!p0 s13  }
0x17e: {  	vm8 =	veq.s32 @!p0 v11, v9  }
0x17f: {  	v9 =	vnsel @!p0 vm8, $0x0, v10  }
0x180: {  	(xrf0) =	vadd.scan.msk.s32 @!p0 $0xffff, v9;
	_ =	sdelay $0x5  }
0x181: {  	v9, _, _ =	vpop @!p0 (xrf0)  }
0x182: {  	(v2sf) =	vpush @!p0 v9, $0xF;
	_ =	sdelay $0xe  }
0x183: {  	s13 =	spop @!p0 (v2sf)  }
0x184: {  	s15 =	sand.u32 @!p0 $0x7F, s13  }
0x185: {  	s13 =	sand.u32 @!p0 $0xFFFFF80, s13;
	v9 =	vmov @!p0 s15  }
0x186: {  	s13 =	sadd.s32 @!p0 s0, s13;
	s15 =	simm.s32 @!p0 $0xC200;
	[tilespmem:$0x10500] =	vst @!p0 v9  }
0x187: {  	[tilespmem:s15], [sflag:$0x7] =	stream.strided.gather @!p0 [hbm4b:s13+s21], $0x1000, s23, s21, $0x38;
	[tilespmem:$0x18600] =	vst v63  }
0x188: {  	s13 =	sadd.s32 @!p0 $0x3D0A00, s13;
	s15 =	simm.s32 @!p0 $0xD200  }
0x189: {  	[tilespmem:s15], [sflag:$0x7] =	stream.strided.gather @!p0 [hbm4b:s13+s21], $0x1000, s23, s21, $0x38;
	[tilespmem:$0x18600] =	vst v63  }
0x18a: {  	_ =	swait.ge [sflag:s11], $0x2000  }
0x18b: {  	[sflag:s11] =	ssyncset.done $0x0  }
0x18c: {  	[sflag:s11] =	ssyncadd.s32 $0xFFFFE000  }
0x18d: {  	v9 =	vld [tilespmem:$0x10580];
	_ =	sdelay $0x4  }
0x18e: {  	s23 =	sadd.s32 $0x7, s19;
	v10 =	vadd.s32 v1, v9  }
0x18f: {  	v11 =	vmov s23  }
0x190: {  	v59 =	vshll.u32 v11, $0x3  }
0x191: {  	v11 =	vand.u32 $0x7F, v11;
	v12 =	vand.u32 $0xC00, v59  }
0x192: {  	v11 =	vor.u32 v11, v12  }
0x193: {  	v12 =	vor.u32 v2, v11;
	v10 =	vld.idx.msk [tilespmem:v10+s24+$0x0], $0xffff  }
0x194: {  	v60 =	vadd.s32 v6, v9;
	_ =	sdelay $0x3  }
0x195: {  	[tilespmem:v12+s28+$0x0] =	vst.idx.msk $0xffff, v10  }
0x196: {  	v61 =	vor.u32 v3, v11;
	v10 =	vld.idx.msk [tilespmem:v60+s24+$0x0], $0xffff  }
0x197: {  	v62 =	vadd.s32 v7, v9;
	_ =	sdelay $0x3  }
0x198: {  	[tilespmem:v61+s28+$0x0] =	vst.idx.msk $0xffff, v10  }
0x199: {  	v63 =	vor.u32 v4, v11;
	v10 =	vld.idx.msk [tilespmem:v62+s24+$0x0], $0xffff  }
0x19a: {  	v9 =	vadd.s32 v8, v9;
	_ =	sdelay $0x3  }
0x19b: {  	[tilespmem:v63+s28+$0x0] =	vst.idx.msk $0xffff, v10  }
0x19c: {  	v10 =	vor.u32 v5, v11;
	v9 =	vld.idx.msk [tilespmem:v9+s24+$0x0], $0xffff  }
.Ltmp2:
0x19d: {  	_ = 	snop;
	(pc) =	sbr.rel @p0 .LBB2_4-.Ltmp2, $2  }
0x19e: {  	_ =	sdelay $0x2  }
0x19f: {  	[tilespmem:v10+s28+$0x0] =	vst.idx.msk $0xffff, v9  }
0x1a0: {  	s13 =	sadd.s32 $0xF, s19  }
0x1a1: {  	s15 =	sand.u32 $0x3F0, s13  }
0x1a2: {  	v9 =	vld [tilespmem:s15+$0x0];
	_ =	sdelay $0x1  }
0x1a3: {  	s13 =	sand.u32 $0xF, s13  }
0x1a4: {  	v10 =	vmov s13  }
0x1a5: {  	vm8 =	veq.s32 v10, v0  }
0x1a6: {  	v9 =	vnsel vm8, $0x0, v9  }
0x1a7: {  	(xrf0) =	vadd.scan.msk.s32 $0xffff, v9;
	_ =	sdelay $0x5  }
0x1a8: {  	v9, _, _ =	vpop (xrf0)  }
0x1a9: {  	(v2sf) =	vpush v9, $0xF;
	_ =	sdelay $0xe  }
0x1aa: {  	s21 =	spop (v2sf)  }
0x1ab: {  	s23 =	sand.u32 $0x7F, s21  }
.Ltmp3:
0x1ac: {  	s13 =	sand.u32 $0xFFFFF80, s21;
	v9 =	vmov s23;
	(pc) =	sbr.rel .LBB2_2-.Ltmp3, $4  }
0x1ad: {  	s13 =	sadd.s32 s0, s13;
	[tilespmem:$0x10580] =	vst v9  }
0x1ae: {  	[tilespmem:s24], [sflag:$0x8] =	stream.strided.gather [hbm4b:s13+s7], $0x1000, s9, s7, $0x38;
	[tilespmem:$0x18600] =	vst v63  }
0x1af: {  	s19 =	sadd.s32 $0x8, s19;
	s13 =	sadd.s32 $0x3D0A00, s13  }
0x1b0: {  	[tilespmem:s25], [sflag:$0x8] =	stream.strided.gather [hbm4b:s13+s7], $0x1000, s9, s7, $0x38;
	[tilespmem:$0x18600] =	vst v63  }
.LBB2_5:
0x1b1: {  	_ =	sfence.sel $0x180000  }
0x1b2: {  	[bflag:$0x0] =	sbarrier.arrive $0xFFFF  }
0x1b3: {  	_ =	strace $0x90000047  }
0x1b4: {  	s0 =	stileid.u32;
	[bflag:$0x2] =	sbarrier.arrive $0xFFFF  }
0x1b5: {  	p0 =	sne.s32 s0, $0x0;
	s0 =	rddreg [dreg:$0x3]  }
0x1b6: {  	s0 =	sadd.s32 @!p0 $0x100000, s0  }
0x1b7: {  	[sflag:s0] =	ssyncadd.tile.s32 @!p0 $0x1;
	_ =	shalt  }
.Lfunc_end2:
_tile_overlayer_lowered:
.L_overlay_start_2:
0x1b8: {  	(tag) =	ssettag $0x2  }
0x1b9: {  	s0 =	rddreg [dreg:$0x0];
	s2 =	stileid.u32  }
0x1ba: {  	s1 =	rddreg [dreg:$0x1];
	p0 =	sne.s32 s2, $0x0  }
0x1bb: {  	s3 =	rddreg [dreg:$0x2];
	[bflag:$0x3] =	sbarrier.arrive $0xFFFF;
	s2 =	simm.s32 @!p0 $0x1C09  }
0x1bc: {  	[timem:s3], [sflag:s2] =	dma.local @!p0 [hbm:s0], s1  }
0x1bd: {  	s0 =	simm.s32 @!p0 $0x9  }
0x1be: {  	_ =	swait.ge @!p0 [sflag:s0], s1  }
0x1bf: {  	s1 =	ssub.s32 @!p0 $0x0, s1;
	[sflag:s0] =	ssyncset.done @!p0 $0x0  }
0x1c0: {  	[sflag:s0] =	ssyncadd.s32 @!p0 s1  }
0x1c1: {  	[bflag:$0x3] =	sbarrier.arrive $0xFFFF  }
0x1c2: {  	_ =	shalt  }

</sc_bundles>
